<compile_context>
chip_gen: v7x
topology: tpu7x:2x2x1
jax: 0.10.2.dev20260603
libtpu: 0.0.44.dev20260713+nightly
codegen_flags: <defaults>
</compile_context>

<pallas_src>
import jax
import jax.numpy as jnp
from jax import lax
from jax.experimental import pallas as pl
from jax.experimental.pallas import tpu as pltpu
from jax.experimental.pallas import tpu_sc as plsc

NUM_FIELDS = 26
VOCAB = 100000
EMB_DIM = 32
BATCH = 16384

NC, NS, L = 2, 16, 16
NW = NC * NS
IDX_CHUNK = 4096
NCH = BATCH // IDX_CHUNK


W = 4


def _emb_body(x_hbm, tables_hbm, out_hbm, row_v, idx_v, acc, x_sh,
              sem_row, sem_i0, sem_i1, sem_x):
    c_ax = lax.axis_index("c")
    s_ax = lax.axis_index("s")
    d = s_ax * NC + c_ax
    sem_idx = (sem_i0, sem_i1)

    @pl.when(s_ax == 0)
    def _():
        pltpu.async_copy(x_hbm.at[pl.ds(0, W)], x_sh, sem_x)

    pltpu.async_copy(tables_hbm.at[0, d], row_v, sem_row)

    @pl.when(s_ax == 0)
    def _():
        pltpu.make_async_copy(x_hbm.at[pl.ds(0, W)], x_sh, sem_x).wait()

    plsc.subcore_barrier()

    def idx_src(k):
        return x_sh.at[(k // NCH) % W, pl.ds((k % NCH) * IDX_CHUNK, IDX_CHUNK)]

    def refill(f):
        return (x_hbm.at[f], x_sh.at[f % W], sem_x)

    pltpu.async_copy(idx_src(0), idx_v.at[0], sem_i0)
    pltpu.async_copy(idx_src(1), idx_v.at[1], sem_i1)

    zeros = jnp.zeros((L,), jnp.float32)

    @plsc.parallel_loop(0, BATCH, step=L)
    def _(i):
        acc[pl.ds(i, L)] = zeros

    def field(f, _):
        pltpu.make_async_copy(tables_hbm.at[f, d], row_v, sem_row).wait()
        for c in range(NCH):
            s = c % 2
            k = f * NCH + c
            pltpu.make_async_copy(idx_src(k), idx_v.at[s], sem_idx[s]).wait()

            @plsc.parallel_loop(0, IDX_CHUNK, step=L, unroll=8)
            def _(i):
                vals = plsc.load_gather(row_v, [idx_v[s, pl.ds(i, L)]])
                plsc.addupdate(acc.at[pl.ds(c * IDX_CHUNK + i, L)], vals)

            @pl.when(k + 2 < NUM_FIELDS * NCH)
            def _():
                pltpu.async_copy(idx_src(k + 2), idx_v.at[s], sem_idx[s])

        @pl.when(f + 1 < NUM_FIELDS)
        def _():
            pltpu.async_copy(tables_hbm.at[f + 1, d], row_v, sem_row)

        @pl.when((s_ax == 0) & (f >= 1) & (f + W - 1 < NUM_FIELDS))
        def _():
            src, dst, sem = refill(f + W - 1)
            pltpu.make_async_copy(src, dst, sem).wait()

        plsc.subcore_barrier()

        @pl.when((s_ax == 0) & (f + W < NUM_FIELDS))
        def _():
            pltpu.async_copy(*refill(f + W))
        return None

    lax.fori_loop(0, NUM_FIELDS, field, None)

    pltpu.sync_copy(acc, out_hbm.at[d])


@jax.jit
def _emb_call(x_t, tables_t):
    mesh = plsc.VectorSubcoreMesh(core_axis_name="c", subcore_axis_name="s",
                                  num_cores=NC, num_subcores=NS)
    f = pl.kernel(
        _emb_body,
        out_type=jax.ShapeDtypeStruct((EMB_DIM, BATCH), jnp.float32),
        mesh=mesh,
        scratch_types=[
            pltpu.VMEM((VOCAB,), jnp.float32),
            pltpu.VMEM((2, IDX_CHUNK), jnp.int32),
            pltpu.VMEM((BATCH,), jnp.float32),
            pltpu.VMEM_SHARED((W, BATCH), jnp.int32),
            pltpu.SemaphoreType.DMA,
            pltpu.SemaphoreType.DMA,
            pltpu.SemaphoreType.DMA,
            pltpu.SemaphoreType.DMA,
        ],
        compiler_params=pltpu.CompilerParams(use_tc_tiling_on_sc=True,
                                             needs_layout_passes=False),
    )
    return f(x_t, tables_t)


def kernel(g, x, tables):
    del g
    x_t = x.astype(jnp.int32).T
    tables_t = tables.transpose(0, 2, 1)
    out_t = _emb_call(x_t, tables_t)
    return out_t.T

# --- scband reference (transcript-rebuilt; emitter-appended) ---
"""Pipeline reference for scband-cikmembedding-9062380995365 (READ-ONLY COPY).

The authoritative reference and input builder live on the scoring server;
editing this copy changes nothing except your own understanding.
"""

import jax, jax.numpy as jnp
import numpy as np

NUM_FIELDS = 26
VOCAB = 100000
EMB_DIM = 32
BATCH = 16384


def setup_inputs(seed: int = 0) -> dict:
    key = jax.random.key(seed)
    k1, k2 = jax.random.split(key)
    g = jnp.zeros((1,), dtype=jnp.float32)  # graph placeholder; unused (degree=False)
    x = jax.random.randint(k1, (BATCH, NUM_FIELDS), 0, VOCAB)
    # 26 embedding tables, each [VOCAB, EMB_DIM], stacked into one array
    tables = jax.random.normal(k2, (NUM_FIELDS, VOCAB, EMB_DIM), dtype=jnp.float32) * 0.02
    return {"g": g, "x": x, "tables": tables}


def reference(g, x, tables):
    # CategoricalEmbedding: split x along last dim into per-field index vectors,
    # look up each field's table, stack and sum over fields.
    # tables[i][x[:, i]] for each field i, summed over i.
    per_field = jax.vmap(lambda t, idx: jnp.take(t, idx, axis=0))(tables, x.T)  # [F, B, D]
    h = per_field.sum(axis=0)  # [B, D]
    # degree=False so no degree embedding; perturb is None so no addition.
    return h

if __name__ == "__main__":
    import jax
    _d = setup_inputs()
    print(jax.jit(kernel)(*tuple(_d.values())))

</pallas_src>

<mosaic_0001>
#map = affine_map<(d0, d1) -> (0, 0)>
#map1 = affine_map<(d0, d1) -> (0, 0, 0)>
module attributes {stable_mosaic.version = 14 : i64} {
  func.func @_emb_body(%arg0: i32, %arg1: i32, %arg2: memref<26x16384xi32, #tpu.memory_space<hbm>>, %arg3: memref<26x32x100000xf32, #tpu.memory_space<hbm>>, %arg4: memref<32x16384xf32, #tpu.memory_space<hbm>>, %arg5: memref<100000xf32, #tpu.memory_space<vmem>>, %arg6: memref<2x4096xi32, #tpu.memory_space<vmem>>, %arg7: memref<16384xf32, #tpu.memory_space<vmem>>, %arg8: memref<4x16384xi32, #tpu.memory_space<vmem_shared>>, %arg9: memref<!tpu.dma_semaphore, #tpu.memory_space<semaphore_mem>>, %arg10: memref<!tpu.dma_semaphore, #tpu.memory_space<semaphore_mem>>, %arg11: memref<!tpu.dma_semaphore, #tpu.memory_space<semaphore_mem>>, %arg12: memref<!tpu.dma_semaphore, #tpu.memory_space<semaphore_mem>>) attributes {dimension_semantics = [#tpu.dimension_semantics<core_parallel>, #tpu.dimension_semantics<subcore_parallel>], iteration_bounds = array<i64: 2, 16>, scalar_prefetch = 0 : i64, scratch_operands = 8 : i64, tpu.core_type = #tpu.core_type<sc_vector_subcore>, window_params = [{transform_indices = #map}, {transform_indices = #map1}, {transform_indices = #map}]} {
    %mul3A = arith.constant 2 : i32
    %mul3A_0 = arith.muli %arg1, %mul3A : i32
    %add3A = arith.addi %mul3A_0, %arg0 : i32
    %eq3A = arith.constant 0 : i32
    %eq3A_1 = arith.cmpi eq, %arg1, %eq3A : i32
    %convert_element_type3A = arith.extui %eq3A_1 : i1 to i32
    %cond3A = arith.constant 0 : i32
    %cond3A_2 = arith.cmpi ne, %convert_element_type3A, %cond3A : i32
    scf.if %cond3A_2 {
      %dma_start3A_49 = arith.constant 0 : i32
      %dma_start3A_50 = arith.constant 0 : i32
      %dma_start3A_51 = tpu.memref_slice %arg2[%dma_start3A_49, %dma_start3A_50] : memref<26x16384xi32, #tpu.memory_space<hbm>> -> memref<4x16384xi32, #tpu.memory_space<hbm>>
      tpu.enqueue_dma source(%dma_start3A_51 : memref<4x16384xi32, #tpu.memory_space<hbm>>) target(%arg8 : memref<4x16384xi32, #tpu.memory_space<vmem_shared>>) target_semaphore(%arg12 : memref<!tpu.dma_semaphore, #tpu.memory_space<semaphore_mem>>)
    } else {
    }
    %dma_start3A = arith.constant 0 : i32
    %dma_start3A_3 = arith.constant 0 : i32
    %dma_start3A_4 = tpu.memref_slice %arg3[%dma_start3A, %add3A, %dma_start3A_3] : memref<26x32x100000xf32, #tpu.memory_space<hbm>> -> memref<1x1x100000xf32, #tpu.memory_space<hbm>>
    %dma_start3A_5 = tpu.memref_squeeze %dma_start3A_4 : memref<1x1x100000xf32, #tpu.memory_space<hbm>> -> memref<100000xf32, #tpu.memory_space<hbm>>
    %dma_start3A_6 = arith.constant 0 : i32
    %dma_start3A_7 = tpu.memref_slice %arg3[%dma_start3A, %add3A, %dma_start3A_6] : memref<26x32x100000xf32, #tpu.memory_space<hbm>> -> memref<1x1x100000xf32, #tpu.memory_space<hbm>>
    %dma_start3A_8 = tpu.memref_squeeze %dma_start3A_7 : memref<1x1x100000xf32, #tpu.memory_space<hbm>> -> memref<100000xf32, #tpu.memory_space<hbm>>
    tpu.enqueue_dma source(%dma_start3A_8 : memref<100000xf32, #tpu.memory_space<hbm>>) target(%arg5 : memref<100000xf32, #tpu.memory_space<vmem>>) target_semaphore(%arg9 : memref<!tpu.dma_semaphore, #tpu.memory_space<semaphore_mem>>)
    %eq3A_9 = arith.constant 0 : i32
    %eq3A_10 = arith.cmpi eq, %arg1, %eq3A_9 : i32
    %convert_element_type3A_11 = arith.extui %eq3A_10 : i1 to i32
    %cond3A_12 = arith.constant 0 : i32
    %cond3A_13 = arith.cmpi ne, %convert_element_type3A_11, %cond3A_12 : i32
    scf.if %cond3A_13 {
      %dma_wait3A = arith.constant 0 : i32
      %dma_wait3A_49 = arith.constant 0 : i32
      %dma_wait3A_50 = tpu.memref_slice %arg2[%dma_wait3A, %dma_wait3A_49] : memref<26x16384xi32, #tpu.memory_space<hbm>> -> memref<4x16384xi32, #tpu.memory_space<hbm>>
      tpu.wait_dma2 semaphore(%arg12 : memref<!tpu.dma_semaphore, #tpu.memory_space<semaphore_mem>>) src(%dma_wait3A_50 : memref<4x16384xi32, #tpu.memory_space<hbm>>) dst(%arg8 : memref<4x16384xi32, #tpu.memory_space<vmem_shared>>)
    } else {
    }
    %barrier3A = arith.constant 0 : index
    tpu.barrier barrier_id(%barrier3A)
    %dma_start3A_14 = arith.constant 0 : i32
    %dma_start3A_15 = arith.constant 0 : i32
    %dma_start3A_16 = arith.constant 0 : i32
    %dma_start3A_17 = tpu.memref_slice %arg6[%dma_start3A_15, %dma_start3A_16] : memref<2x4096xi32, #tpu.memory_space<vmem>> -> memref<1x4096xi32, #tpu.memory_space<vmem>>
    %dma_start3A_18 = tpu.memref_squeeze %dma_start3A_17 : memref<1x4096xi32, #tpu.memory_space<vmem>> -> memref<4096xi32, #tpu.memory_space<vmem>>
    %dma_start3A_19 = arith.constant 0 : i32
    %dma_start3A_20 = tpu.memref_slice %arg8[%dma_start3A_14, %dma_start3A_19] : memref<4x16384xi32, #tpu.memory_space<vmem_shared>> -> memref<1x4096xi32, #tpu.memory_space<vmem_shared>>
    %dma_start3A_21 = tpu.memref_squeeze %dma_start3A_20 : memref<1x4096xi32, #tpu.memory_space<vmem_shared>> -> memref<4096xi32, #tpu.memory_space<vmem_shared>>
    %dma_start3A_22 = arith.constant 0 : i32
    %dma_start3A_23 = tpu.memref_slice %arg6[%dma_start3A_15, %dma_start3A_22] : memref<2x4096xi32, #tpu.memory_space<vmem>> -> memref<1x4096xi32, #tpu.memory_space<vmem>>
    %dma_start3A_24 = tpu.memref_squeeze %dma_start3A_23 : memref<1x4096xi32, #tpu.memory_space<vmem>> -> memref<4096xi32, #tpu.memory_space<vmem>>
    %dma_start3A_25 = arith.constant 0 : i32
    %dma_start3A_26 = tpu.memref_slice %arg8[%dma_start3A_14, %dma_start3A_25] : memref<4x16384xi32, #tpu.memory_space<vmem_shared>> -> memref<1x4096xi32, #tpu.memory_space<vmem_shared>>
    %dma_start3A_27 = tpu.memref_squeeze %dma_start3A_26 : memref<1x4096xi32, #tpu.memory_space<vmem_shared>> -> memref<4096xi32, #tpu.memory_space<vmem_shared>>
    tpu.enqueue_dma source(%dma_start3A_27 : memref<4096xi32, #tpu.memory_space<vmem_shared>>) target(%dma_start3A_24 : memref<4096xi32, #tpu.memory_space<vmem>>) target_semaphore(%arg10 : memref<!tpu.dma_semaphore, #tpu.memory_space<semaphore_mem>>)
    %dma_start3A_28 = arith.constant 0 : i32
    %dma_start3A_29 = arith.constant 1 : i32
    %dma_start3A_30 = arith.constant 0 : i32
    %dma_start3A_31 = tpu.memref_slice %arg6[%dma_start3A_29, %dma_start3A_30] : memref<2x4096xi32, #tpu.memory_space<vmem>> -> memref<1x4096xi32, #tpu.memory_space<vmem>>
    %dma_start3A_32 = tpu.memref_squeeze %dma_start3A_31 : memref<1x4096xi32, #tpu.memory_space<vmem>> -> memref<4096xi32, #tpu.memory_space<vmem>>
    %dma_start3A_33 = arith.constant 4096 : i32
    %dma_start3A_34 = tpu.memref_slice %arg8[%dma_start3A_28, %dma_start3A_33] : memref<4x16384xi32, #tpu.memory_space<vmem_shared>> -> memref<1x4096xi32, #tpu.memory_space<vmem_shared>>
    %dma_start3A_35 = tpu.memref_squeeze %dma_start3A_34 : memref<1x4096xi32, #tpu.memory_space<vmem_shared>> -> memref<4096xi32, #tpu.memory_space<vmem_shared>>
    %dma_start3A_36 = arith.constant 0 : i32
    %dma_start3A_37 = tpu.memref_slice %arg6[%dma_start3A_29, %dma_start3A_36] : memref<2x4096xi32, #tpu.memory_space<vmem>> -> memref<1x4096xi32, #tpu.memory_space<vmem>>
    %dma_start3A_38 = tpu.memref_squeeze %dma_start3A_37 : memref<1x4096xi32, #tpu.memory_space<vmem>> -> memref<4096xi32, #tpu.memory_space<vmem>>
    %dma_start3A_39 = arith.constant 4096 : i32
    %dma_start3A_40 = tpu.memref_slice %arg8[%dma_start3A_28, %dma_start3A_39] : memref<4x16384xi32, #tpu.memory_space<vmem_shared>> -> memref<1x4096xi32, #tpu.memory_space<vmem_shared>>
    %dma_start3A_41 = tpu.memref_squeeze %dma_start3A_40 : memref<1x4096xi32, #tpu.memory_space<vmem_shared>> -> memref<4096xi32, #tpu.memory_space<vmem_shared>>
    tpu.enqueue_dma source(%dma_start3A_41 : memref<4096xi32, #tpu.memory_space<vmem_shared>>) target(%dma_start3A_38 : memref<4096xi32, #tpu.memory_space<vmem>>) target_semaphore(%arg11 : memref<!tpu.dma_semaphore, #tpu.memory_space<semaphore_mem>>)
    %broadcast_in_dim3A = arith.constant 0.000000e+00 : f32
    %broadcast_in_dim3A_42 = vector.broadcast %broadcast_in_dim3A : f32 to vector<16xf32>
    %parallel_loop3A = arith.constant 0 : i32
    %parallel_loop3A_43 = arith.constant 16384 : i32
    %parallel_loop3A_44 = arith.constant 16 : i32
    scf.for %parallel_loop3A_49 = %parallel_loop3A to %parallel_loop3A_43 step %parallel_loop3A_44  : i32 {
      %parallel_loop3A_50 = arith.index_cast %parallel_loop3A_49 : i32 to index
      %parallel_loop3A_51 = tpu.vector_load %arg7[%parallel_loop3A_50] {strides = array<i32>} : memref<16384xf32, #tpu.memory_space<vmem>>, vector<16xf32>,
      tpu.vector_store %arg7[%parallel_loop3A_50], %broadcast_in_dim3A_42 {strides = array<i32>} : memref<16384xf32, #tpu.memory_space<vmem>>, vector<16xf32>,
    } {sc.loop_unroll_factor = 1 : i64, sc.parallel_access}
    %scan3A = arith.constant 0 : i32
    %scan3A_45 = arith.constant 26 : i32
    %scan3A_46 = arith.addi %scan3A, %scan3A_45 : i32
    %scan3A_47 = arith.constant 1 : i32
    scf.for %scan3A_49 = %scan3A to %scan3A_46 step %scan3A_47  : i32 {
      %dma_wait3A = arith.constant 0 : i32
      %dma_wait3A_50 = tpu.memref_slice %arg3[%scan3A_49, %add3A, %dma_wait3A] : memref<26x32x100000xf32, #tpu.memory_space<hbm>> -> memref<1x1x100000xf32, #tpu.memory_space<hbm>>
      %dma_wait3A_51 = tpu.memref_squeeze %dma_wait3A_50 : memref<1x1x100000xf32, #tpu.memory_space<hbm>> -> memref<100000xf32, #tpu.memory_space<hbm>>
      %dma_wait3A_52 = arith.constant 0 : i32
      %dma_wait3A_53 = tpu.memref_slice %arg3[%scan3A_49, %add3A, %dma_wait3A_52] : memref<26x32x100000xf32, #tpu.memory_space<hbm>> -> memref<1x1x100000xf32, #tpu.memory_space<hbm>>
      %dma_wait3A_54 = tpu.memref_squeeze %dma_wait3A_53 : memref<1x1x100000xf32, #tpu.memory_space<hbm>> -> memref<100000xf32, #tpu.memory_space<hbm>>
      tpu.wait_dma2 semaphore(%arg9 : memref<!tpu.dma_semaphore, #tpu.memory_space<semaphore_mem>>) src(%dma_wait3A_54 : memref<100000xf32, #tpu.memory_space<hbm>>) dst(%arg5 : memref<100000xf32, #tpu.memory_space<vmem>>)
      %mul3A_55 = arith.constant 4 : i32
      %mul3A_56 = arith.muli %scan3A_49, %mul3A_55 : i32
      %add3A_57 = arith.constant 0 : i32
      %add3A_58 = arith.addi %mul3A_56, %add3A_57 : i32
      %jit3A = arith.constant 4 : i32
      %div3A = arith.divsi %add3A_58, %jit3A : i32
      %sign3A = arith.constant 0 : i32
      %sign3A_59 = arith.cmpi sgt, %add3A_58, %sign3A : i32
      %sign3A_60 = arith.extui %sign3A_59 : i1 to i32
      %sign3A_61 = arith.constant 0 : i32
      %sign3A_62 = arith.cmpi slt, %add3A_58, %sign3A_61 : i32
      %sign3A_63 = arith.extui %sign3A_62 : i1 to i32
      %sign3A_64 = arith.subi %sign3A_60, %sign3A_63 : i32
      %sign3A_65 = arith.constant 0 : i32
      %sign3A_66 = arith.cmpi sgt, %jit3A, %sign3A_65 : i32
      %sign3A_67 = arith.extui %sign3A_66 : i1 to i32
      %sign3A_68 = arith.constant 0 : i32
      %sign3A_69 = arith.cmpi slt, %jit3A, %sign3A_68 : i32
      %sign3A_70 = arith.extui %sign3A_69 : i1 to i32
      %sign3A_71 = arith.subi %sign3A_67, %sign3A_70 : i32
      %ne3A = arith.cmpi ne, %sign3A_64, %sign3A_71 : i32
      %rem3A = arith.remsi %add3A_58, %jit3A : i32
      %ne3A_72 = arith.constant 0 : i32
      %ne3A_73 = arith.cmpi ne, %rem3A, %ne3A_72 : i32
      %and3A = arith.andi %ne3A, %ne3A_73 : i1
      %sub3A = arith.constant 1 : i32
      %sub3A_74 = arith.subi %div3A, %sub3A : i32
      %select_n3A = arith.select %and3A, %sub3A_74, %div3A : i32
      %jit3A_75 = arith.constant 4 : i32
      %eq3A_76 = arith.constant 0 : i32
      %eq3A_77 = arith.cmpi eq, %jit3A_75, %eq3A_76 : i32
      %jit3A_78 = arith.constant 1 : i32
      %select_n3A_79 = arith.select %eq3A_77, %jit3A_78, %jit3A_75 : i32
      %rem3A_80 = arith.remsi %select_n3A, %select_n3A_79 : i32
      %ne3A_81 = arith.constant 0 : i32
      %ne3A_82 = arith.cmpi ne, %rem3A_80, %ne3A_81 : i32
      %lt3A = arith.constant 0 : i32
      %lt3A_83 = arith.cmpi slt, %rem3A_80, %lt3A : i32
      %lt3A_84 = arith.constant 0 : i32
      %lt3A_85 = arith.cmpi slt, %select_n3A_79, %lt3A_84 : i32
      %ne3A_86 = arith.xori %lt3A_83, %lt3A_85 : i1
      %and3A_87 = arith.andi %ne3A_86, %ne3A_82 : i1
      %add3A_88 = arith.addi %rem3A_80, %select_n3A_79 : i32
      %select_n3A_89 = arith.select %and3A_87, %add3A_88, %rem3A_80 : i32
      %jit3A_90 = arith.constant 4 : i32
      %eq3A_91 = arith.constant 0 : i32
      %eq3A_92 = arith.cmpi eq, %jit3A_90, %eq3A_91 : i32
      %jit3A_93 = arith.constant 1 : i32
      %select_n3A_94 = arith.select %eq3A_92, %jit3A_93, %jit3A_90 : i32
      %rem3A_95 = arith.remsi %add3A_58, %select_n3A_94 : i32
      %ne3A_96 = arith.constant 0 : i32
      %ne3A_97 = arith.cmpi ne, %rem3A_95, %ne3A_96 : i32
      %lt3A_98 = arith.constant 0 : i32
      %lt3A_99 = arith.cmpi slt, %rem3A_95, %lt3A_98 : i32
      %lt3A_100 = arith.constant 0 : i32
      %lt3A_101 = arith.cmpi slt, %select_n3A_94, %lt3A_100 : i32
      %ne3A_102 = arith.xori %lt3A_99, %lt3A_101 : i1
      %and3A_103 = arith.andi %ne3A_102, %ne3A_97 : i1
      %add3A_104 = arith.addi %rem3A_95, %select_n3A_94 : i32
      %select_n3A_105 = arith.select %and3A_103, %add3A_104, %rem3A_95 : i32
      %mul3A_106 = arith.constant 4096 : i32
      %mul3A_107 = arith.muli %select_n3A_105, %mul3A_106 : i32
      %dma_wait3A_108 = arith.constant 0 : i32
      %dma_wait3A_109 = arith.constant 0 : i32
      %dma_wait3A_110 = tpu.memref_slice %arg6[%dma_wait3A_108, %dma_wait3A_109] : memref<2x4096xi32, #tpu.memory_space<vmem>> -> memref<1x4096xi32, #tpu.memory_space<vmem>>
      %dma_wait3A_111 = tpu.memref_squeeze %dma_wait3A_110 : memref<1x4096xi32, #tpu.memory_space<vmem>> -> memref<4096xi32, #tpu.memory_space<vmem>>
      %dma_wait3A_112 = tpu.memref_slice %arg8[%select_n3A_89, %mul3A_107] : memref<4x16384xi32, #tpu.memory_space<vmem_shared>> -> memref<1x4096xi32, #tpu.memory_space<vmem_shared>>
      %dma_wait3A_113 = tpu.memref_squeeze %dma_wait3A_112 : memref<1x4096xi32, #tpu.memory_space<vmem_shared>> -> memref<4096xi32, #tpu.memory_space<vmem_shared>>
      %dma_wait3A_114 = arith.constant 0 : i32
      %dma_wait3A_115 = tpu.memref_slice %arg6[%dma_wait3A_108, %dma_wait3A_114] : memref<2x4096xi32, #tpu.memory_space<vmem>> -> memref<1x4096xi32, #tpu.memory_space<vmem>>
      %dma_wait3A_116 = tpu.memref_squeeze %dma_wait3A_115 : memref<1x4096xi32, #tpu.memory_space<vmem>> -> memref<4096xi32, #tpu.memory_space<vmem>>
      %dma_wait3A_117 = tpu.memref_slice %arg8[%select_n3A_89, %mul3A_107] : memref<4x16384xi32, #tpu.memory_space<vmem_shared>> -> memref<1x4096xi32, #tpu.memory_space<vmem_shared>>
      %dma_wait3A_118 = tpu.memref_squeeze %dma_wait3A_117 : memref<1x4096xi32, #tpu.memory_space<vmem_shared>> -> memref<4096xi32, #tpu.memory_space<vmem_shared>>
      tpu.wait_dma2 semaphore(%arg10 : memref<!tpu.dma_semaphore, #tpu.memory_space<semaphore_mem>>) src(%dma_wait3A_118 : memref<4096xi32, #tpu.memory_space<vmem_shared>>) dst(%dma_wait3A_116 : memref<4096xi32, #tpu.memory_space<vmem>>)
      %parallel_loop3A_119 = arith.constant 0 : i32
      %parallel_loop3A_120 = arith.constant 4096 : i32
      %parallel_loop3A_121 = arith.constant 16 : i32
      scf.for %parallel_loop3A_410 = %parallel_loop3A_119 to %parallel_loop3A_120 step %parallel_loop3A_121  : i32 {
        %parallel_loop3A_411 = arith.constant 0 : i32
        %parallel_loop3A_412 = arith.index_cast %parallel_loop3A_411 : i32 to index
        %parallel_loop3A_413 = arith.index_cast %parallel_loop3A_410 : i32 to index
        %parallel_loop3A_414 = tpu.vector_load %arg6[%parallel_loop3A_412, %parallel_loop3A_413] {strides = array<i32>} : memref<2x4096xi32, #tpu.memory_space<vmem>>, vector<16xi32>,
        %parallel_loop3A_415 = tpu.vector_load_idx %arg5[%parallel_loop3A_414] : memref<100000xf32, #tpu.memory_space<vmem>>[vector<16xi32>], vector<16xf32>,
        %parallel_loop3A_416 = arith.constant 0 : i32
        %parallel_loop3A_417 = arith.addi %parallel_loop3A_416, %parallel_loop3A_410 : i32
        %parallel_loop3A_418 = arith.index_cast %parallel_loop3A_417 : i32 to index
        %parallel_loop3A_419 = tpu.vector_load %arg7[%parallel_loop3A_418] {strides = array<i32>} : memref<16384xf32, #tpu.memory_space<vmem>>, vector<16xf32>,
        tpu.vector_store %arg7[%parallel_loop3A_418], %parallel_loop3A_415 {add = true, strides = array<i32>} : memref<16384xf32, #tpu.memory_space<vmem>>, vector<16xf32>,
      } {sc.loop_unroll_factor = 8 : i64, sc.parallel_access}
      %add3A_122 = arith.constant 2 : i32
      %add3A_123 = arith.addi %add3A_58, %add3A_122 : i32
      %lt3A_124 = arith.constant 104 : i32
      %lt3A_125 = arith.cmpi slt, %add3A_123, %lt3A_124 : i32
      %convert_element_type3A_126 = arith.extui %lt3A_125 : i1 to i32
      %cond3A_127 = arith.constant 0 : i32
      %cond3A_128 = arith.cmpi ne, %convert_element_type3A_126, %cond3A_127 : i32
      scf.if %cond3A_128 {
        %add3A_410 = arith.constant 2 : i32
        %add3A_411 = arith.addi %add3A_58, %add3A_410 : i32
        %jit3A_412 = arith.constant 4 : i32
        %div3A_413 = arith.divsi %add3A_411, %jit3A_412 : i32
        %sign3A_414 = arith.constant 0 : i32
        %sign3A_415 = arith.cmpi sgt, %add3A_411, %sign3A_414 : i32
        %sign3A_416 = arith.extui %sign3A_415 : i1 to i32
        %sign3A_417 = arith.constant 0 : i32
        %sign3A_418 = arith.cmpi slt, %add3A_411, %sign3A_417 : i32
        %sign3A_419 = arith.extui %sign3A_418 : i1 to i32
        %sign3A_420 = arith.subi %sign3A_416, %sign3A_419 : i32
        %sign3A_421 = arith.constant 0 : i32
        %sign3A_422 = arith.cmpi sgt, %jit3A_412, %sign3A_421 : i32
        %sign3A_423 = arith.extui %sign3A_422 : i1 to i32
        %sign3A_424 = arith.constant 0 : i32
        %sign3A_425 = arith.cmpi slt, %jit3A_412, %sign3A_424 : i32
        %sign3A_426 = arith.extui %sign3A_425 : i1 to i32
        %sign3A_427 = arith.subi %sign3A_423, %sign3A_426 : i32
        %ne3A_428 = arith.cmpi ne, %sign3A_420, %sign3A_427 : i32
        %rem3A_429 = arith.remsi %add3A_411, %jit3A_412 : i32
        %ne3A_430 = arith.constant 0 : i32
        %ne3A_431 = arith.cmpi ne, %rem3A_429, %ne3A_430 : i32
        %and3A_432 = arith.andi %ne3A_428, %ne3A_431 : i1
        %sub3A_433 = arith.constant 1 : i32
        %sub3A_434 = arith.subi %div3A_413, %sub3A_433 : i32
        %select_n3A_435 = arith.select %and3A_432, %sub3A_434, %div3A_413 : i32
        %jit3A_436 = arith.constant 4 : i32
        %eq3A_437 = arith.constant 0 : i32
        %eq3A_438 = arith.cmpi eq, %jit3A_436, %eq3A_437 : i32
        %jit3A_439 = arith.constant 1 : i32
        %select_n3A_440 = arith.select %eq3A_438, %jit3A_439, %jit3A_436 : i32
        %rem3A_441 = arith.remsi %select_n3A_435, %select_n3A_440 : i32
        %ne3A_442 = arith.constant 0 : i32
        %ne3A_443 = arith.cmpi ne, %rem3A_441, %ne3A_442 : i32
        %lt3A_444 = arith.constant 0 : i32
        %lt3A_445 = arith.cmpi slt, %rem3A_441, %lt3A_444 : i32
        %lt3A_446 = arith.constant 0 : i32
        %lt3A_447 = arith.cmpi slt, %select_n3A_440, %lt3A_446 : i32
        %ne3A_448 = arith.xori %lt3A_445, %lt3A_447 : i1
        %and3A_449 = arith.andi %ne3A_448, %ne3A_443 : i1
        %add3A_450 = arith.addi %rem3A_441, %select_n3A_440 : i32
        %select_n3A_451 = arith.select %and3A_449, %add3A_450, %rem3A_441 : i32
        %jit3A_452 = arith.constant 4 : i32
        %eq3A_453 = arith.constant 0 : i32
        %eq3A_454 = arith.cmpi eq, %jit3A_452, %eq3A_453 : i32
        %jit3A_455 = arith.constant 1 : i32
        %select_n3A_456 = arith.select %eq3A_454, %jit3A_455, %jit3A_452 : i32
        %rem3A_457 = arith.remsi %add3A_411, %select_n3A_456 : i32
        %ne3A_458 = arith.constant 0 : i32
        %ne3A_459 = arith.cmpi ne, %rem3A_457, %ne3A_458 : i32
        %lt3A_460 = arith.constant 0 : i32
        %lt3A_461 = arith.cmpi slt, %rem3A_457, %lt3A_460 : i32
        %lt3A_462 = arith.constant 0 : i32
        %lt3A_463 = arith.cmpi slt, %select_n3A_456, %lt3A_462 : i32
        %ne3A_464 = arith.xori %lt3A_461, %lt3A_463 : i1
        %and3A_465 = arith.andi %ne3A_464, %ne3A_459 : i1
        %add3A_466 = arith.addi %rem3A_457, %select_n3A_456 : i32
        %select_n3A_467 = arith.select %and3A_465, %add3A_466, %rem3A_457 : i32
        %mul3A_468 = arith.constant 4096 : i32
        %mul3A_469 = arith.muli %select_n3A_467, %mul3A_468 : i32
        %dma_start3A_470 = arith.constant 0 : i32
        %dma_start3A_471 = arith.constant 0 : i32
        %dma_start3A_472 = tpu.memref_slice %arg6[%dma_start3A_470, %dma_start3A_471] : memref<2x4096xi32, #tpu.memory_space<vmem>> -> memref<1x4096xi32, #tpu.memory_space<vmem>>
        %dma_start3A_473 = tpu.memref_squeeze %dma_start3A_472 : memref<1x4096xi32, #tpu.memory_space<vmem>> -> memref<4096xi32, #tpu.memory_space<vmem>>
        %dma_start3A_474 = tpu.memref_slice %arg8[%select_n3A_451, %mul3A_469] : memref<4x16384xi32, #tpu.memory_space<vmem_shared>> -> memref<1x4096xi32, #tpu.memory_space<vmem_shared>>
        %dma_start3A_475 = tpu.memref_squeeze %dma_start3A_474 : memref<1x4096xi32, #tpu.memory_space<vmem_shared>> -> memref<4096xi32, #tpu.memory_space<vmem_shared>>
        %dma_start3A_476 = arith.constant 0 : i32
        %dma_start3A_477 = tpu.memref_slice %arg6[%dma_start3A_470, %dma_start3A_476] : memref<2x4096xi32, #tpu.memory_space<vmem>> -> memref<1x4096xi32, #tpu.memory_space<vmem>>
        %dma_start3A_478 = tpu.memref_squeeze %dma_start3A_477 : memref<1x4096xi32, #tpu.memory_space<vmem>> -> memref<4096xi32, #tpu.memory_space<vmem>>
        %dma_start3A_479 = tpu.memref_slice %arg8[%select_n3A_451, %mul3A_469] : memref<4x16384xi32, #tpu.memory_space<vmem_shared>> -> memref<1x4096xi32, #tpu.memory_space<vmem_shared>>
        %dma_start3A_480 = tpu.memref_squeeze %dma_start3A_479 : memref<1x4096xi32, #tpu.memory_space<vmem_shared>> -> memref<4096xi32, #tpu.memory_space<vmem_shared>>
        tpu.enqueue_dma source(%dma_start3A_480 : memref<4096xi32, #tpu.memory_space<vmem_shared>>) target(%dma_start3A_478 : memref<4096xi32, #tpu.memory_space<vmem>>) target_semaphore(%arg10 : memref<!tpu.dma_semaphore, #tpu.memory_space<semaphore_mem>>)
      } else {
      }
      %mul3A_129 = arith.constant 4 : i32
      %mul3A_130 = arith.muli %scan3A_49, %mul3A_129 : i32
      %add3A_131 = arith.constant 1 : i32
      %add3A_132 = arith.addi %mul3A_130, %add3A_131 : i32
      %jit3A_133 = arith.constant 4 : i32
      %div3A_134 = arith.divsi %add3A_132, %jit3A_133 : i32
      %sign3A_135 = arith.constant 0 : i32
      %sign3A_136 = arith.cmpi sgt, %add3A_132, %sign3A_135 : i32
      %sign3A_137 = arith.extui %sign3A_136 : i1 to i32
      %sign3A_138 = arith.constant 0 : i32
      %sign3A_139 = arith.cmpi slt, %add3A_132, %sign3A_138 : i32
      %sign3A_140 = arith.extui %sign3A_139 : i1 to i32
      %sign3A_141 = arith.subi %sign3A_137, %sign3A_140 : i32
      %sign3A_142 = arith.constant 0 : i32
      %sign3A_143 = arith.cmpi sgt, %jit3A_133, %sign3A_142 : i32
      %sign3A_144 = arith.extui %sign3A_143 : i1 to i32
      %sign3A_145 = arith.constant 0 : i32
      %sign3A_146 = arith.cmpi slt, %jit3A_133, %sign3A_145 : i32
      %sign3A_147 = arith.extui %sign3A_146 : i1 to i32
      %sign3A_148 = arith.subi %sign3A_144, %sign3A_147 : i32
      %ne3A_149 = arith.cmpi ne, %sign3A_141, %sign3A_148 : i32
      %rem3A_150 = arith.remsi %add3A_132, %jit3A_133 : i32
      %ne3A_151 = arith.constant 0 : i32
      %ne3A_152 = arith.cmpi ne, %rem3A_150, %ne3A_151 : i32
      %and3A_153 = arith.andi %ne3A_149, %ne3A_152 : i1
      %sub3A_154 = arith.constant 1 : i32
      %sub3A_155 = arith.subi %div3A_134, %sub3A_154 : i32
      %select_n3A_156 = arith.select %and3A_153, %sub3A_155, %div3A_134 : i32
      %jit3A_157 = arith.constant 4 : i32
      %eq3A_158 = arith.constant 0 : i32
      %eq3A_159 = arith.cmpi eq, %jit3A_157, %eq3A_158 : i32
      %jit3A_160 = arith.constant 1 : i32
      %select_n3A_161 = arith.select %eq3A_159, %jit3A_160, %jit3A_157 : i32
      %rem3A_162 = arith.remsi %select_n3A_156, %select_n3A_161 : i32
      %ne3A_163 = arith.constant 0 : i32
      %ne3A_164 = arith.cmpi ne, %rem3A_162, %ne3A_163 : i32
      %lt3A_165 = arith.constant 0 : i32
      %lt3A_166 = arith.cmpi slt, %rem3A_162, %lt3A_165 : i32
      %lt3A_167 = arith.constant 0 : i32
      %lt3A_168 = arith.cmpi slt, %select_n3A_161, %lt3A_167 : i32
      %ne3A_169 = arith.xori %lt3A_166, %lt3A_168 : i1
      %and3A_170 = arith.andi %ne3A_169, %ne3A_164 : i1
      %add3A_171 = arith.addi %rem3A_162, %select_n3A_161 : i32
      %select_n3A_172 = arith.select %and3A_170, %add3A_171, %rem3A_162 : i32
      %jit3A_173 = arith.constant 4 : i32
      %eq3A_174 = arith.constant 0 : i32
      %eq3A_175 = arith.cmpi eq, %jit3A_173, %eq3A_174 : i32
      %jit3A_176 = arith.constant 1 : i32
      %select_n3A_177 = arith.select %eq3A_175, %jit3A_176, %jit3A_173 : i32
      %rem3A_178 = arith.remsi %add3A_132, %select_n3A_177 : i32
      %ne3A_179 = arith.constant 0 : i32
      %ne3A_180 = arith.cmpi ne, %rem3A_178, %ne3A_179 : i32
      %lt3A_181 = arith.constant 0 : i32
      %lt3A_182 = arith.cmpi slt, %rem3A_178, %lt3A_181 : i32
      %lt3A_183 = arith.constant 0 : i32
      %lt3A_184 = arith.cmpi slt, %select_n3A_177, %lt3A_183 : i32
      %ne3A_185 = arith.xori %lt3A_182, %lt3A_184 : i1
      %and3A_186 = arith.andi %ne3A_185, %ne3A_180 : i1
      %add3A_187 = arith.addi %rem3A_178, %select_n3A_177 : i32
      %select_n3A_188 = arith.select %and3A_186, %add3A_187, %rem3A_178 : i32
      %mul3A_189 = arith.constant 4096 : i32
      %mul3A_190 = arith.muli %select_n3A_188, %mul3A_189 : i32
      %dma_wait3A_191 = arith.constant 1 : i32
      %dma_wait3A_192 = arith.constant 0 : i32
      %dma_wait3A_193 = tpu.memref_slice %arg6[%dma_wait3A_191, %dma_wait3A_192] : memref<2x4096xi32, #tpu.memory_space<vmem>> -> memref<1x4096xi32, #tpu.memory_space<vmem>>
      %dma_wait3A_194 = tpu.memref_squeeze %dma_wait3A_193 : memref<1x4096xi32, #tpu.memory_space<vmem>> -> memref<4096xi32, #tpu.memory_space<vmem>>
      %dma_wait3A_195 = tpu.memref_slice %arg8[%select_n3A_172, %mul3A_190] : memref<4x16384xi32, #tpu.memory_space<vmem_shared>> -> memref<1x4096xi32, #tpu.memory_space<vmem_shared>>
      %dma_wait3A_196 = tpu.memref_squeeze %dma_wait3A_195 : memref<1x4096xi32, #tpu.memory_space<vmem_shared>> -> memref<4096xi32, #tpu.memory_space<vmem_shared>>
      %dma_wait3A_197 = arith.constant 0 : i32
      %dma_wait3A_198 = tpu.memref_slice %arg6[%dma_wait3A_191, %dma_wait3A_197] : memref<2x4096xi32, #tpu.memory_space<vmem>> -> memref<1x4096xi32, #tpu.memory_space<vmem>>
      %dma_wait3A_199 = tpu.memref_squeeze %dma_wait3A_198 : memref<1x4096xi32, #tpu.memory_space<vmem>> -> memref<4096xi32, #tpu.memory_space<vmem>>
      %dma_wait3A_200 = tpu.memref_slice %arg8[%select_n3A_172, %mul3A_190] : memref<4x16384xi32, #tpu.memory_space<vmem_shared>> -> memref<1x4096xi32, #tpu.memory_space<vmem_shared>>
      %dma_wait3A_201 = tpu.memref_squeeze %dma_wait3A_200 : memref<1x4096xi32, #tpu.memory_space<vmem_shared>> -> memref<4096xi32, #tpu.memory_space<vmem_shared>>
      tpu.wait_dma2 semaphore(%arg11 : memref<!tpu.dma_semaphore, #tpu.memory_space<semaphore_mem>>) src(%dma_wait3A_201 : memref<4096xi32, #tpu.memory_space<vmem_shared>>) dst(%dma_wait3A_199 : memref<4096xi32, #tpu.memory_space<vmem>>)
      %parallel_loop3A_202 = arith.constant 0 : i32
      %parallel_loop3A_203 = arith.constant 4096 : i32
      %parallel_loop3A_204 = arith.constant 16 : i32
      scf.for %parallel_loop3A_410 = %parallel_loop3A_202 to %parallel_loop3A_203 step %parallel_loop3A_204  : i32 {
        %parallel_loop3A_411 = arith.constant 1 : i32
        %parallel_loop3A_412 = arith.index_cast %parallel_loop3A_411 : i32 to index
        %parallel_loop3A_413 = arith.index_cast %parallel_loop3A_410 : i32 to index
        %parallel_loop3A_414 = tpu.vector_load %arg6[%parallel_loop3A_412, %parallel_loop3A_413] {strides = array<i32>} : memref<2x4096xi32, #tpu.memory_space<vmem>>, vector<16xi32>,
        %parallel_loop3A_415 = tpu.vector_load_idx %arg5[%parallel_loop3A_414] : memref<100000xf32, #tpu.memory_space<vmem>>[vector<16xi32>], vector<16xf32>,
        %parallel_loop3A_416 = arith.constant 4096 : i32
        %parallel_loop3A_417 = arith.addi %parallel_loop3A_416, %parallel_loop3A_410 : i32
        %parallel_loop3A_418 = arith.index_cast %parallel_loop3A_417 : i32 to index
        %parallel_loop3A_419 = tpu.vector_load %arg7[%parallel_loop3A_418] {strides = array<i32>} : memref<16384xf32, #tpu.memory_space<vmem>>, vector<16xf32>,
        tpu.vector_store %arg7[%parallel_loop3A_418], %parallel_loop3A_415 {add = true, strides = array<i32>} : memref<16384xf32, #tpu.memory_space<vmem>>, vector<16xf32>,
      } {sc.loop_unroll_factor = 8 : i64, sc.parallel_access}
      %add3A_205 = arith.constant 2 : i32
      %add3A_206 = arith.addi %add3A_132, %add3A_205 : i32
      %lt3A_207 = arith.constant 104 : i32
      %lt3A_208 = arith.cmpi slt, %add3A_206, %lt3A_207 : i32
      %convert_element_type3A_209 = arith.extui %lt3A_208 : i1 to i32
      %cond3A_210 = arith.constant 0 : i32
      %cond3A_211 = arith.cmpi ne, %convert_element_type3A_209, %cond3A_210 : i32
      scf.if %cond3A_211 {
        %add3A_410 = arith.constant 2 : i32
        %add3A_411 = arith.addi %add3A_132, %add3A_410 : i32
        %jit3A_412 = arith.constant 4 : i32
        %div3A_413 = arith.divsi %add3A_411, %jit3A_412 : i32
        %sign3A_414 = arith.constant 0 : i32
        %sign3A_415 = arith.cmpi sgt, %add3A_411, %sign3A_414 : i32
        %sign3A_416 = arith.extui %sign3A_415 : i1 to i32
        %sign3A_417 = arith.constant 0 : i32
        %sign3A_418 = arith.cmpi slt, %add3A_411, %sign3A_417 : i32
        %sign3A_419 = arith.extui %sign3A_418 : i1 to i32
        %sign3A_420 = arith.subi %sign3A_416, %sign3A_419 : i32
        %sign3A_421 = arith.constant 0 : i32
        %sign3A_422 = arith.cmpi sgt, %jit3A_412, %sign3A_421 : i32
        %sign3A_423 = arith.extui %sign3A_422 : i1 to i32
        %sign3A_424 = arith.constant 0 : i32
        %sign3A_425 = arith.cmpi slt, %jit3A_412, %sign3A_424 : i32
        %sign3A_426 = arith.extui %sign3A_425 : i1 to i32
        %sign3A_427 = arith.subi %sign3A_423, %sign3A_426 : i32
        %ne3A_428 = arith.cmpi ne, %sign3A_420, %sign3A_427 : i32
        %rem3A_429 = arith.remsi %add3A_411, %jit3A_412 : i32
        %ne3A_430 = arith.constant 0 : i32
        %ne3A_431 = arith.cmpi ne, %rem3A_429, %ne3A_430 : i32
        %and3A_432 = arith.andi %ne3A_428, %ne3A_431 : i1
        %sub3A_433 = arith.constant 1 : i32
        %sub3A_434 = arith.subi %div3A_413, %sub3A_433 : i32
        %select_n3A_435 = arith.select %and3A_432, %sub3A_434, %div3A_413 : i32
        %jit3A_436 = arith.constant 4 : i32
        %eq3A_437 = arith.constant 0 : i32
        %eq3A_438 = arith.cmpi eq, %jit3A_436, %eq3A_437 : i32
        %jit3A_439 = arith.constant 1 : i32
        %select_n3A_440 = arith.select %eq3A_438, %jit3A_439, %jit3A_436 : i32
        %rem3A_441 = arith.remsi %select_n3A_435, %select_n3A_440 : i32
        %ne3A_442 = arith.constant 0 : i32
        %ne3A_443 = arith.cmpi ne, %rem3A_441, %ne3A_442 : i32
        %lt3A_444 = arith.constant 0 : i32
        %lt3A_445 = arith.cmpi slt, %rem3A_441, %lt3A_444 : i32
        %lt3A_446 = arith.constant 0 : i32
        %lt3A_447 = arith.cmpi slt, %select_n3A_440, %lt3A_446 : i32
        %ne3A_448 = arith.xori %lt3A_445, %lt3A_447 : i1
        %and3A_449 = arith.andi %ne3A_448, %ne3A_443 : i1
        %add3A_450 = arith.addi %rem3A_441, %select_n3A_440 : i32
        %select_n3A_451 = arith.select %and3A_449, %add3A_450, %rem3A_441 : i32
        %jit3A_452 = arith.constant 4 : i32
        %eq3A_453 = arith.constant 0 : i32
        %eq3A_454 = arith.cmpi eq, %jit3A_452, %eq3A_453 : i32
        %jit3A_455 = arith.constant 1 : i32
        %select_n3A_456 = arith.select %eq3A_454, %jit3A_455, %jit3A_452 : i32
        %rem3A_457 = arith.remsi %add3A_411, %select_n3A_456 : i32
        %ne3A_458 = arith.constant 0 : i32
        %ne3A_459 = arith.cmpi ne, %rem3A_457, %ne3A_458 : i32
        %lt3A_460 = arith.constant 0 : i32
        %lt3A_461 = arith.cmpi slt, %rem3A_457, %lt3A_460 : i32
        %lt3A_462 = arith.constant 0 : i32
        %lt3A_463 = arith.cmpi slt, %select_n3A_456, %lt3A_462 : i32
        %ne3A_464 = arith.xori %lt3A_461, %lt3A_463 : i1
        %and3A_465 = arith.andi %ne3A_464, %ne3A_459 : i1
        %add3A_466 = arith.addi %rem3A_457, %select_n3A_456 : i32
        %select_n3A_467 = arith.select %and3A_465, %add3A_466, %rem3A_457 : i32
        %mul3A_468 = arith.constant 4096 : i32
        %mul3A_469 = arith.muli %select_n3A_467, %mul3A_468 : i32
        %dma_start3A_470 = arith.constant 1 : i32
        %dma_start3A_471 = arith.constant 0 : i32
        %dma_start3A_472 = tpu.memref_slice %arg6[%dma_start3A_470, %dma_start3A_471] : memref<2x4096xi32, #tpu.memory_space<vmem>> -> memref<1x4096xi32, #tpu.memory_space<vmem>>
        %dma_start3A_473 = tpu.memref_squeeze %dma_start3A_472 : memref<1x4096xi32, #tpu.memory_space<vmem>> -> memref<4096xi32, #tpu.memory_space<vmem>>
        %dma_start3A_474 = tpu.memref_slice %arg8[%select_n3A_451, %mul3A_469] : memref<4x16384xi32, #tpu.memory_space<vmem_shared>> -> memref<1x4096xi32, #tpu.memory_space<vmem_shared>>
        %dma_start3A_475 = tpu.memref_squeeze %dma_start3A_474 : memref<1x4096xi32, #tpu.memory_space<vmem_shared>> -> memref<4096xi32, #tpu.memory_space<vmem_shared>>
        %dma_start3A_476 = arith.constant 0 : i32
        %dma_start3A_477 = tpu.memref_slice %arg6[%dma_start3A_470, %dma_start3A_476] : memref<2x4096xi32, #tpu.memory_space<vmem>> -> memref<1x4096xi32, #tpu.memory_space<vmem>>
        %dma_start3A_478 = tpu.memref_squeeze %dma_start3A_477 : memref<1x4096xi32, #tpu.memory_space<vmem>> -> memref<4096xi32, #tpu.memory_space<vmem>>
        %dma_start3A_479 = tpu.memref_slice %arg8[%select_n3A_451, %mul3A_469] : memref<4x16384xi32, #tpu.memory_space<vmem_shared>> -> memref<1x4096xi32, #tpu.memory_space<vmem_shared>>
        %dma_start3A_480 = tpu.memref_squeeze %dma_start3A_479 : memref<1x4096xi32, #tpu.memory_space<vmem_shared>> -> memref<4096xi32, #tpu.memory_space<vmem_shared>>
        tpu.enqueue_dma source(%dma_start3A_480 : memref<4096xi32, #tpu.memory_space<vmem_shared>>) target(%dma_start3A_478 : memref<4096xi32, #tpu.memory_space<vmem>>) target_semaphore(%arg11 : memref<!tpu.dma_semaphore, #tpu.memory_space<semaphore_mem>>)
      } else {
      }
      %mul3A_212 = arith.constant 4 : i32
      %mul3A_213 = arith.muli %scan3A_49, %mul3A_212 : i32
      %add3A_214 = arith.constant 2 : i32
      %add3A_215 = arith.addi %mul3A_213, %add3A_214 : i32
      %jit3A_216 = arith.constant 4 : i32
      %div3A_217 = arith.divsi %add3A_215, %jit3A_216 : i32
      %sign3A_218 = arith.constant 0 : i32
      %sign3A_219 = arith.cmpi sgt, %add3A_215, %sign3A_218 : i32
      %sign3A_220 = arith.extui %sign3A_219 : i1 to i32
      %sign3A_221 = arith.constant 0 : i32
      %sign3A_222 = arith.cmpi slt, %add3A_215, %sign3A_221 : i32
      %sign3A_223 = arith.extui %sign3A_222 : i1 to i32
      %sign3A_224 = arith.subi %sign3A_220, %sign3A_223 : i32
      %sign3A_225 = arith.constant 0 : i32
      %sign3A_226 = arith.cmpi sgt, %jit3A_216, %sign3A_225 : i32
      %sign3A_227 = arith.extui %sign3A_226 : i1 to i32
      %sign3A_228 = arith.constant 0 : i32
      %sign3A_229 = arith.cmpi slt, %jit3A_216, %sign3A_228 : i32
      %sign3A_230 = arith.extui %sign3A_229 : i1 to i32
      %sign3A_231 = arith.subi %sign3A_227, %sign3A_230 : i32
      %ne3A_232 = arith.cmpi ne, %sign3A_224, %sign3A_231 : i32
      %rem3A_233 = arith.remsi %add3A_215, %jit3A_216 : i32
      %ne3A_234 = arith.constant 0 : i32
      %ne3A_235 = arith.cmpi ne, %rem3A_233, %ne3A_234 : i32
      %and3A_236 = arith.andi %ne3A_232, %ne3A_235 : i1
      %sub3A_237 = arith.constant 1 : i32
      %sub3A_238 = arith.subi %div3A_217, %sub3A_237 : i32
      %select_n3A_239 = arith.select %and3A_236, %sub3A_238, %div3A_217 : i32
      %jit3A_240 = arith.constant 4 : i32
      %eq3A_241 = arith.constant 0 : i32
      %eq3A_242 = arith.cmpi eq, %jit3A_240, %eq3A_241 : i32
      %jit3A_243 = arith.constant 1 : i32
      %select_n3A_244 = arith.select %eq3A_242, %jit3A_243, %jit3A_240 : i32
      %rem3A_245 = arith.remsi %select_n3A_239, %select_n3A_244 : i32
      %ne3A_246 = arith.constant 0 : i32
      %ne3A_247 = arith.cmpi ne, %rem3A_245, %ne3A_246 : i32
      %lt3A_248 = arith.constant 0 : i32
      %lt3A_249 = arith.cmpi slt, %rem3A_245, %lt3A_248 : i32
      %lt3A_250 = arith.constant 0 : i32
      %lt3A_251 = arith.cmpi slt, %select_n3A_244, %lt3A_250 : i32
      %ne3A_252 = arith.xori %lt3A_249, %lt3A_251 : i1
      %and3A_253 = arith.andi %ne3A_252, %ne3A_247 : i1
      %add3A_254 = arith.addi %rem3A_245, %select_n3A_244 : i32
      %select_n3A_255 = arith.select %and3A_253, %add3A_254, %rem3A_245 : i32
      %jit3A_256 = arith.constant 4 : i32
      %eq3A_257 = arith.constant 0 : i32
      %eq3A_258 = arith.cmpi eq, %jit3A_256, %eq3A_257 : i32
      %jit3A_259 = arith.constant 1 : i32
      %select_n3A_260 = arith.select %eq3A_258, %jit3A_259, %jit3A_256 : i32
      %rem3A_261 = arith.remsi %add3A_215, %select_n3A_260 : i32
      %ne3A_262 = arith.constant 0 : i32
      %ne3A_263 = arith.cmpi ne, %rem3A_261, %ne3A_262 : i32
      %lt3A_264 = arith.constant 0 : i32
      %lt3A_265 = arith.cmpi slt, %rem3A_261, %lt3A_264 : i32
      %lt3A_266 = arith.constant 0 : i32
      %lt3A_267 = arith.cmpi slt, %select_n3A_260, %lt3A_266 : i32
      %ne3A_268 = arith.xori %lt3A_265, %lt3A_267 : i1
      %and3A_269 = arith.andi %ne3A_268, %ne3A_263 : i1
      %add3A_270 = arith.addi %rem3A_261, %select_n3A_260 : i32
      %select_n3A_271 = arith.select %and3A_269, %add3A_270, %rem3A_261 : i32
      %mul3A_272 = arith.constant 4096 : i32
      %mul3A_273 = arith.muli %select_n3A_271, %mul3A_272 : i32
      %dma_wait3A_274 = arith.constant 0 : i32
      %dma_wait3A_275 = arith.constant 0 : i32
      %dma_wait3A_276 = tpu.memref_slice %arg6[%dma_wait3A_274, %dma_wait3A_275] : memref<2x4096xi32, #tpu.memory_space<vmem>> -> memref<1x4096xi32, #tpu.memory_space<vmem>>
      %dma_wait3A_277 = tpu.memref_squeeze %dma_wait3A_276 : memref<1x4096xi32, #tpu.memory_space<vmem>> -> memref<4096xi32, #tpu.memory_space<vmem>>
      %dma_wait3A_278 = tpu.memref_slice %arg8[%select_n3A_255, %mul3A_273] : memref<4x16384xi32, #tpu.memory_space<vmem_shared>> -> memref<1x4096xi32, #tpu.memory_space<vmem_shared>>
      %dma_wait3A_279 = tpu.memref_squeeze %dma_wait3A_278 : memref<1x4096xi32, #tpu.memory_space<vmem_shared>> -> memref<4096xi32, #tpu.memory_space<vmem_shared>>
      %dma_wait3A_280 = arith.constant 0 : i32
      %dma_wait3A_281 = tpu.memref_slice %arg6[%dma_wait3A_274, %dma_wait3A_280] : memref<2x4096xi32, #tpu.memory_space<vmem>> -> memref<1x4096xi32, #tpu.memory_space<vmem>>
      %dma_wait3A_282 = tpu.memref_squeeze %dma_wait3A_281 : memref<1x4096xi32, #tpu.memory_space<vmem>> -> memref<4096xi32, #tpu.memory_space<vmem>>
      %dma_wait3A_283 = tpu.memref_slice %arg8[%select_n3A_255, %mul3A_273] : memref<4x16384xi32, #tpu.memory_space<vmem_shared>> -> memref<1x4096xi32, #tpu.memory_space<vmem_shared>>
      %dma_wait3A_284 = tpu.memref_squeeze %dma_wait3A_283 : memref<1x4096xi32, #tpu.memory_space<vmem_shared>> -> memref<4096xi32, #tpu.memory_space<vmem_shared>>
      tpu.wait_dma2 semaphore(%arg10 : memref<!tpu.dma_semaphore, #tpu.memory_space<semaphore_mem>>) src(%dma_wait3A_284 : memref<4096xi32, #tpu.memory_space<vmem_shared>>) dst(%dma_wait3A_282 : memref<4096xi32, #tpu.memory_space<vmem>>)
      %parallel_loop3A_285 = arith.constant 0 : i32
      %parallel_loop3A_286 = arith.constant 4096 : i32
      %parallel_loop3A_287 = arith.constant 16 : i32
      scf.for %parallel_loop3A_410 = %parallel_loop3A_285 to %parallel_loop3A_286 step %parallel_loop3A_287  : i32 {
        %parallel_loop3A_411 = arith.constant 0 : i32
        %parallel_loop3A_412 = arith.index_cast %parallel_loop3A_411 : i32 to index
        %parallel_loop3A_413 = arith.index_cast %parallel_loop3A_410 : i32 to index
        %parallel_loop3A_414 = tpu.vector_load %arg6[%parallel_loop3A_412, %parallel_loop3A_413] {strides = array<i32>} : memref<2x4096xi32, #tpu.memory_space<vmem>>, vector<16xi32>,
        %parallel_loop3A_415 = tpu.vector_load_idx %arg5[%parallel_loop3A_414] : memref<100000xf32, #tpu.memory_space<vmem>>[vector<16xi32>], vector<16xf32>,
        %parallel_loop3A_416 = arith.constant 8192 : i32
        %parallel_loop3A_417 = arith.addi %parallel_loop3A_416, %parallel_loop3A_410 : i32
        %parallel_loop3A_418 = arith.index_cast %parallel_loop3A_417 : i32 to index
        %parallel_loop3A_419 = tpu.vector_load %arg7[%parallel_loop3A_418] {strides = array<i32>} : memref<16384xf32, #tpu.memory_space<vmem>>, vector<16xf32>,
        tpu.vector_store %arg7[%parallel_loop3A_418], %parallel_loop3A_415 {add = true, strides = array<i32>} : memref<16384xf32, #tpu.memory_space<vmem>>, vector<16xf32>,
      } {sc.loop_unroll_factor = 8 : i64, sc.parallel_access}
      %add3A_288 = arith.constant 2 : i32
      %add3A_289 = arith.addi %add3A_215, %add3A_288 : i32
      %lt3A_290 = arith.constant 104 : i32
      %lt3A_291 = arith.cmpi slt, %add3A_289, %lt3A_290 : i32
      %convert_element_type3A_292 = arith.extui %lt3A_291 : i1 to i32
      %cond3A_293 = arith.constant 0 : i32
      %cond3A_294 = arith.cmpi ne, %convert_element_type3A_292, %cond3A_293 : i32
      scf.if %cond3A_294 {
        %add3A_410 = arith.constant 2 : i32
        %add3A_411 = arith.addi %add3A_215, %add3A_410 : i32
        %jit3A_412 = arith.constant 4 : i32
        %div3A_413 = arith.divsi %add3A_411, %jit3A_412 : i32
        %sign3A_414 = arith.constant 0 : i32
        %sign3A_415 = arith.cmpi sgt, %add3A_411, %sign3A_414 : i32
        %sign3A_416 = arith.extui %sign3A_415 : i1 to i32
        %sign3A_417 = arith.constant 0 : i32
        %sign3A_418 = arith.cmpi slt, %add3A_411, %sign3A_417 : i32
        %sign3A_419 = arith.extui %sign3A_418 : i1 to i32
        %sign3A_420 = arith.subi %sign3A_416, %sign3A_419 : i32
        %sign3A_421 = arith.constant 0 : i32
        %sign3A_422 = arith.cmpi sgt, %jit3A_412, %sign3A_421 : i32
        %sign3A_423 = arith.extui %sign3A_422 : i1 to i32
        %sign3A_424 = arith.constant 0 : i32
        %sign3A_425 = arith.cmpi slt, %jit3A_412, %sign3A_424 : i32
        %sign3A_426 = arith.extui %sign3A_425 : i1 to i32
        %sign3A_427 = arith.subi %sign3A_423, %sign3A_426 : i32
        %ne3A_428 = arith.cmpi ne, %sign3A_420, %sign3A_427 : i32
        %rem3A_429 = arith.remsi %add3A_411, %jit3A_412 : i32
        %ne3A_430 = arith.constant 0 : i32
        %ne3A_431 = arith.cmpi ne, %rem3A_429, %ne3A_430 : i32
        %and3A_432 = arith.andi %ne3A_428, %ne3A_431 : i1
        %sub3A_433 = arith.constant 1 : i32
        %sub3A_434 = arith.subi %div3A_413, %sub3A_433 : i32
        %select_n3A_435 = arith.select %and3A_432, %sub3A_434, %div3A_413 : i32
        %jit3A_436 = arith.constant 4 : i32
        %eq3A_437 = arith.constant 0 : i32
        %eq3A_438 = arith.cmpi eq, %jit3A_436, %eq3A_437 : i32
        %jit3A_439 = arith.constant 1 : i32
        %select_n3A_440 = arith.select %eq3A_438, %jit3A_439, %jit3A_436 : i32
        %rem3A_441 = arith.remsi %select_n3A_435, %select_n3A_440 : i32
        %ne3A_442 = arith.constant 0 : i32
        %ne3A_443 = arith.cmpi ne, %rem3A_441, %ne3A_442 : i32
        %lt3A_444 = arith.constant 0 : i32
        %lt3A_445 = arith.cmpi slt, %rem3A_441, %lt3A_444 : i32
        %lt3A_446 = arith.constant 0 : i32
        %lt3A_447 = arith.cmpi slt, %select_n3A_440, %lt3A_446 : i32
        %ne3A_448 = arith.xori %lt3A_445, %lt3A_447 : i1
        %and3A_449 = arith.andi %ne3A_448, %ne3A_443 : i1
        %add3A_450 = arith.addi %rem3A_441, %select_n3A_440 : i32
        %select_n3A_451 = arith.select %and3A_449, %add3A_450, %rem3A_441 : i32
        %jit3A_452 = arith.constant 4 : i32
        %eq3A_453 = arith.constant 0 : i32
        %eq3A_454 = arith.cmpi eq, %jit3A_452, %eq3A_453 : i32
        %jit3A_455 = arith.constant 1 : i32
        %select_n3A_456 = arith.select %eq3A_454, %jit3A_455, %jit3A_452 : i32
        %rem3A_457 = arith.remsi %add3A_411, %select_n3A_456 : i32
        %ne3A_458 = arith.constant 0 : i32
        %ne3A_459 = arith.cmpi ne, %rem3A_457, %ne3A_458 : i32
        %lt3A_460 = arith.constant 0 : i32
        %lt3A_461 = arith.cmpi slt, %rem3A_457, %lt3A_460 : i32
        %lt3A_462 = arith.constant 0 : i32
        %lt3A_463 = arith.cmpi slt, %select_n3A_456, %lt3A_462 : i32
        %ne3A_464 = arith.xori %lt3A_461, %lt3A_463 : i1
        %and3A_465 = arith.andi %ne3A_464, %ne3A_459 : i1
        %add3A_466 = arith.addi %rem3A_457, %select_n3A_456 : i32
        %select_n3A_467 = arith.select %and3A_465, %add3A_466, %rem3A_457 : i32
        %mul3A_468 = arith.constant 4096 : i32
        %mul3A_469 = arith.muli %select_n3A_467, %mul3A_468 : i32
        %dma_start3A_470 = arith.constant 0 : i32
        %dma_start3A_471 = arith.constant 0 : i32
        %dma_start3A_472 = tpu.memref_slice %arg6[%dma_start3A_470, %dma_start3A_471] : memref<2x4096xi32, #tpu.memory_space<vmem>> -> memref<1x4096xi32, #tpu.memory_space<vmem>>
        %dma_start3A_473 = tpu.memref_squeeze %dma_start3A_472 : memref<1x4096xi32, #tpu.memory_space<vmem>> -> memref<4096xi32, #tpu.memory_space<vmem>>
        %dma_start3A_474 = tpu.memref_slice %arg8[%select_n3A_451, %mul3A_469] : memref<4x16384xi32, #tpu.memory_space<vmem_shared>> -> memref<1x4096xi32, #tpu.memory_space<vmem_shared>>
        %dma_start3A_475 = tpu.memref_squeeze %dma_start3A_474 : memref<1x4096xi32, #tpu.memory_space<vmem_shared>> -> memref<4096xi32, #tpu.memory_space<vmem_shared>>
        %dma_start3A_476 = arith.constant 0 : i32
        %dma_start3A_477 = tpu.memref_slice %arg6[%dma_start3A_470, %dma_start3A_476] : memref<2x4096xi32, #tpu.memory_space<vmem>> -> memref<1x4096xi32, #tpu.memory_space<vmem>>
        %dma_start3A_478 = tpu.memref_squeeze %dma_start3A_477 : memref<1x4096xi32, #tpu.memory_space<vmem>> -> memref<4096xi32, #tpu.memory_space<vmem>>
        %dma_start3A_479 = tpu.memref_slice %arg8[%select_n3A_451, %mul3A_469] : memref<4x16384xi32, #tpu.memory_space<vmem_shared>> -> memref<1x4096xi32, #tpu.memory_space<vmem_shared>>
        %dma_start3A_480 = tpu.memref_squeeze %dma_start3A_479 : memref<1x4096xi32, #tpu.memory_space<vmem_shared>> -> memref<4096xi32, #tpu.memory_space<vmem_shared>>
        tpu.enqueue_dma source(%dma_start3A_480 : memref<4096xi32, #tpu.memory_space<vmem_shared>>) target(%dma_start3A_478 : memref<4096xi32, #tpu.memory_space<vmem>>) target_semaphore(%arg10 : memref<!tpu.dma_semaphore, #tpu.memory_space<semaphore_mem>>)
      } else {
      }
      %mul3A_295 = arith.constant 4 : i32
      %mul3A_296 = arith.muli %scan3A_49, %mul3A_295 : i32
      %add3A_297 = arith.constant 3 : i32
      %add3A_298 = arith.addi %mul3A_296, %add3A_297 : i32
      %jit3A_299 = arith.constant 4 : i32
      %div3A_300 = arith.divsi %add3A_298, %jit3A_299 : i32
      %sign3A_301 = arith.constant 0 : i32
      %sign3A_302 = arith.cmpi sgt, %add3A_298, %sign3A_301 : i32
      %sign3A_303 = arith.extui %sign3A_302 : i1 to i32
      %sign3A_304 = arith.constant 0 : i32
      %sign3A_305 = arith.cmpi slt, %add3A_298, %sign3A_304 : i32
      %sign3A_306 = arith.extui %sign3A_305 : i1 to i32
      %sign3A_307 = arith.subi %sign3A_303, %sign3A_306 : i32
      %sign3A_308 = arith.constant 0 : i32
      %sign3A_309 = arith.cmpi sgt, %jit3A_299, %sign3A_308 : i32
      %sign3A_310 = arith.extui %sign3A_309 : i1 to i32
      %sign3A_311 = arith.constant 0 : i32
      %sign3A_312 = arith.cmpi slt, %jit3A_299, %sign3A_311 : i32
      %sign3A_313 = arith.extui %sign3A_312 : i1 to i32
      %sign3A_314 = arith.subi %sign3A_310, %sign3A_313 : i32
      %ne3A_315 = arith.cmpi ne, %sign3A_307, %sign3A_314 : i32
      %rem3A_316 = arith.remsi %add3A_298, %jit3A_299 : i32
      %ne3A_317 = arith.constant 0 : i32
      %ne3A_318 = arith.cmpi ne, %rem3A_316, %ne3A_317 : i32
      %and3A_319 = arith.andi %ne3A_315, %ne3A_318 : i1
      %sub3A_320 = arith.constant 1 : i32
      %sub3A_321 = arith.subi %div3A_300, %sub3A_320 : i32
      %select_n3A_322 = arith.select %and3A_319, %sub3A_321, %div3A_300 : i32
      %jit3A_323 = arith.constant 4 : i32
      %eq3A_324 = arith.constant 0 : i32
      %eq3A_325 = arith.cmpi eq, %jit3A_323, %eq3A_324 : i32
      %jit3A_326 = arith.constant 1 : i32
      %select_n3A_327 = arith.select %eq3A_325, %jit3A_326, %jit3A_323 : i32
      %rem3A_328 = arith.remsi %select_n3A_322, %select_n3A_327 : i32
      %ne3A_329 = arith.constant 0 : i32
      %ne3A_330 = arith.cmpi ne, %rem3A_328, %ne3A_329 : i32
      %lt3A_331 = arith.constant 0 : i32
      %lt3A_332 = arith.cmpi slt, %rem3A_328, %lt3A_331 : i32
      %lt3A_333 = arith.constant 0 : i32
      %lt3A_334 = arith.cmpi slt, %select_n3A_327, %lt3A_333 : i32
      %ne3A_335 = arith.xori %lt3A_332, %lt3A_334 : i1
      %and3A_336 = arith.andi %ne3A_335, %ne3A_330 : i1
      %add3A_337 = arith.addi %rem3A_328, %select_n3A_327 : i32
      %select_n3A_338 = arith.select %and3A_336, %add3A_337, %rem3A_328 : i32
      %jit3A_339 = arith.constant 4 : i32
      %eq3A_340 = arith.constant 0 : i32
      %eq3A_341 = arith.cmpi eq, %jit3A_339, %eq3A_340 : i32
      %jit3A_342 = arith.constant 1 : i32
      %select_n3A_343 = arith.select %eq3A_341, %jit3A_342, %jit3A_339 : i32
      %rem3A_344 = arith.remsi %add3A_298, %select_n3A_343 : i32
      %ne3A_345 = arith.constant 0 : i32
      %ne3A_346 = arith.cmpi ne, %rem3A_344, %ne3A_345 : i32
      %lt3A_347 = arith.constant 0 : i32
      %lt3A_348 = arith.cmpi slt, %rem3A_344, %lt3A_347 : i32
      %lt3A_349 = arith.constant 0 : i32
      %lt3A_350 = arith.cmpi slt, %select_n3A_343, %lt3A_349 : i32
      %ne3A_351 = arith.xori %lt3A_348, %lt3A_350 : i1
      %and3A_352 = arith.andi %ne3A_351, %ne3A_346 : i1
      %add3A_353 = arith.addi %rem3A_344, %select_n3A_343 : i32
      %select_n3A_354 = arith.select %and3A_352, %add3A_353, %rem3A_344 : i32
      %mul3A_355 = arith.constant 4096 : i32
      %mul3A_356 = arith.muli %select_n3A_354, %mul3A_355 : i32
      %dma_wait3A_357 = arith.constant 1 : i32
      %dma_wait3A_358 = arith.constant 0 : i32
      %dma_wait3A_359 = tpu.memref_slice %arg6[%dma_wait3A_357, %dma_wait3A_358] : memref<2x4096xi32, #tpu.memory_space<vmem>> -> memref<1x4096xi32, #tpu.memory_space<vmem>>
      %dma_wait3A_360 = tpu.memref_squeeze %dma_wait3A_359 : memref<1x4096xi32, #tpu.memory_space<vmem>> -> memref<4096xi32, #tpu.memory_space<vmem>>
      %dma_wait3A_361 = tpu.memref_slice %arg8[%select_n3A_338, %mul3A_356] : memref<4x16384xi32, #tpu.memory_space<vmem_shared>> -> memref<1x4096xi32, #tpu.memory_space<vmem_shared>>
      %dma_wait3A_362 = tpu.memref_squeeze %dma_wait3A_361 : memref<1x4096xi32, #tpu.memory_space<vmem_shared>> -> memref<4096xi32, #tpu.memory_space<vmem_shared>>
      %dma_wait3A_363 = arith.constant 0 : i32
      %dma_wait3A_364 = tpu.memref_slice %arg6[%dma_wait3A_357, %dma_wait3A_363] : memref<2x4096xi32, #tpu.memory_space<vmem>> -> memref<1x4096xi32, #tpu.memory_space<vmem>>
      %dma_wait3A_365 = tpu.memref_squeeze %dma_wait3A_364 : memref<1x4096xi32, #tpu.memory_space<vmem>> -> memref<4096xi32, #tpu.memory_space<vmem>>
      %dma_wait3A_366 = tpu.memref_slice %arg8[%select_n3A_338, %mul3A_356] : memref<4x16384xi32, #tpu.memory_space<vmem_shared>> -> memref<1x4096xi32, #tpu.memory_space<vmem_shared>>
      %dma_wait3A_367 = tpu.memref_squeeze %dma_wait3A_366 : memref<1x4096xi32, #tpu.memory_space<vmem_shared>> -> memref<4096xi32, #tpu.memory_space<vmem_shared>>
      tpu.wait_dma2 semaphore(%arg11 : memref<!tpu.dma_semaphore, #tpu.memory_space<semaphore_mem>>) src(%dma_wait3A_367 : memref<4096xi32, #tpu.memory_space<vmem_shared>>) dst(%dma_wait3A_365 : memref<4096xi32, #tpu.memory_space<vmem>>)
      %parallel_loop3A_368 = arith.constant 0 : i32
      %parallel_loop3A_369 = arith.constant 4096 : i32
      %parallel_loop3A_370 = arith.constant 16 : i32
      scf.for %parallel_loop3A_410 = %parallel_loop3A_368 to %parallel_loop3A_369 step %parallel_loop3A_370  : i32 {
        %parallel_loop3A_411 = arith.constant 1 : i32
        %parallel_loop3A_412 = arith.index_cast %parallel_loop3A_411 : i32 to index
        %parallel_loop3A_413 = arith.index_cast %parallel_loop3A_410 : i32 to index
        %parallel_loop3A_414 = tpu.vector_load %arg6[%parallel_loop3A_412, %parallel_loop3A_413] {strides = array<i32>} : memref<2x4096xi32, #tpu.memory_space<vmem>>, vector<16xi32>,
        %parallel_loop3A_415 = tpu.vector_load_idx %arg5[%parallel_loop3A_414] : memref<100000xf32, #tpu.memory_space<vmem>>[vector<16xi32>], vector<16xf32>,
        %parallel_loop3A_416 = arith.constant 12288 : i32
        %parallel_loop3A_417 = arith.addi %parallel_loop3A_416, %parallel_loop3A_410 : i32
        %parallel_loop3A_418 = arith.index_cast %parallel_loop3A_417 : i32 to index
        %parallel_loop3A_419 = tpu.vector_load %arg7[%parallel_loop3A_418] {strides = array<i32>} : memref<16384xf32, #tpu.memory_space<vmem>>, vector<16xf32>,
        tpu.vector_store %arg7[%parallel_loop3A_418], %parallel_loop3A_415 {add = true, strides = array<i32>} : memref<16384xf32, #tpu.memory_space<vmem>>, vector<16xf32>,
      } {sc.loop_unroll_factor = 8 : i64, sc.parallel_access}
      %add3A_371 = arith.constant 2 : i32
      %add3A_372 = arith.addi %add3A_298, %add3A_371 : i32
      %lt3A_373 = arith.constant 104 : i32
      %lt3A_374 = arith.cmpi slt, %add3A_372, %lt3A_373 : i32
      %convert_element_type3A_375 = arith.extui %lt3A_374 : i1 to i32
      %cond3A_376 = arith.constant 0 : i32
      %cond3A_377 = arith.cmpi ne, %convert_element_type3A_375, %cond3A_376 : i32
      scf.if %cond3A_377 {
        %add3A_410 = arith.constant 2 : i32
        %add3A_411 = arith.addi %add3A_298, %add3A_410 : i32
        %jit3A_412 = arith.constant 4 : i32
        %div3A_413 = arith.divsi %add3A_411, %jit3A_412 : i32
        %sign3A_414 = arith.constant 0 : i32
        %sign3A_415 = arith.cmpi sgt, %add3A_411, %sign3A_414 : i32
        %sign3A_416 = arith.extui %sign3A_415 : i1 to i32
        %sign3A_417 = arith.constant 0 : i32
        %sign3A_418 = arith.cmpi slt, %add3A_411, %sign3A_417 : i32
        %sign3A_419 = arith.extui %sign3A_418 : i1 to i32
        %sign3A_420 = arith.subi %sign3A_416, %sign3A_419 : i32
        %sign3A_421 = arith.constant 0 : i32
        %sign3A_422 = arith.cmpi sgt, %jit3A_412, %sign3A_421 : i32
        %sign3A_423 = arith.extui %sign3A_422 : i1 to i32
        %sign3A_424 = arith.constant 0 : i32
        %sign3A_425 = arith.cmpi slt, %jit3A_412, %sign3A_424 : i32
        %sign3A_426 = arith.extui %sign3A_425 : i1 to i32
        %sign3A_427 = arith.subi %sign3A_423, %sign3A_426 : i32
        %ne3A_428 = arith.cmpi ne, %sign3A_420, %sign3A_427 : i32
        %rem3A_429 = arith.remsi %add3A_411, %jit3A_412 : i32
        %ne3A_430 = arith.constant 0 : i32
        %ne3A_431 = arith.cmpi ne, %rem3A_429, %ne3A_430 : i32
        %and3A_432 = arith.andi %ne3A_428, %ne3A_431 : i1
        %sub3A_433 = arith.constant 1 : i32
        %sub3A_434 = arith.subi %div3A_413, %sub3A_433 : i32
        %select_n3A_435 = arith.select %and3A_432, %sub3A_434, %div3A_413 : i32
        %jit3A_436 = arith.constant 4 : i32
        %eq3A_437 = arith.constant 0 : i32
        %eq3A_438 = arith.cmpi eq, %jit3A_436, %eq3A_437 : i32
        %jit3A_439 = arith.constant 1 : i32
        %select_n3A_440 = arith.select %eq3A_438, %jit3A_439, %jit3A_436 : i32
        %rem3A_441 = arith.remsi %select_n3A_435, %select_n3A_440 : i32
        %ne3A_442 = arith.constant 0 : i32
        %ne3A_443 = arith.cmpi ne, %rem3A_441, %ne3A_442 : i32
        %lt3A_444 = arith.constant 0 : i32
        %lt3A_445 = arith.cmpi slt, %rem3A_441, %lt3A_444 : i32
        %lt3A_446 = arith.constant 0 : i32
        %lt3A_447 = arith.cmpi slt, %select_n3A_440, %lt3A_446 : i32
        %ne3A_448 = arith.xori %lt3A_445, %lt3A_447 : i1
        %and3A_449 = arith.andi %ne3A_448, %ne3A_443 : i1
        %add3A_450 = arith.addi %rem3A_441, %select_n3A_440 : i32
        %select_n3A_451 = arith.select %and3A_449, %add3A_450, %rem3A_441 : i32
        %jit3A_452 = arith.constant 4 : i32
        %eq3A_453 = arith.constant 0 : i32
        %eq3A_454 = arith.cmpi eq, %jit3A_452, %eq3A_453 : i32
        %jit3A_455 = arith.constant 1 : i32
        %select_n3A_456 = arith.select %eq3A_454, %jit3A_455, %jit3A_452 : i32
        %rem3A_457 = arith.remsi %add3A_411, %select_n3A_456 : i32
        %ne3A_458 = arith.constant 0 : i32
        %ne3A_459 = arith.cmpi ne, %rem3A_457, %ne3A_458 : i32
        %lt3A_460 = arith.constant 0 : i32
        %lt3A_461 = arith.cmpi slt, %rem3A_457, %lt3A_460 : i32
        %lt3A_462 = arith.constant 0 : i32
        %lt3A_463 = arith.cmpi slt, %select_n3A_456, %lt3A_462 : i32
        %ne3A_464 = arith.xori %lt3A_461, %lt3A_463 : i1
        %and3A_465 = arith.andi %ne3A_464, %ne3A_459 : i1
        %add3A_466 = arith.addi %rem3A_457, %select_n3A_456 : i32
        %select_n3A_467 = arith.select %and3A_465, %add3A_466, %rem3A_457 : i32
        %mul3A_468 = arith.constant 4096 : i32
        %mul3A_469 = arith.muli %select_n3A_467, %mul3A_468 : i32
        %dma_start3A_470 = arith.constant 1 : i32
        %dma_start3A_471 = arith.constant 0 : i32
        %dma_start3A_472 = tpu.memref_slice %arg6[%dma_start3A_470, %dma_start3A_471] : memref<2x4096xi32, #tpu.memory_space<vmem>> -> memref<1x4096xi32, #tpu.memory_space<vmem>>
        %dma_start3A_473 = tpu.memref_squeeze %dma_start3A_472 : memref<1x4096xi32, #tpu.memory_space<vmem>> -> memref<4096xi32, #tpu.memory_space<vmem>>
        %dma_start3A_474 = tpu.memref_slice %arg8[%select_n3A_451, %mul3A_469] : memref<4x16384xi32, #tpu.memory_space<vmem_shared>> -> memref<1x4096xi32, #tpu.memory_space<vmem_shared>>
        %dma_start3A_475 = tpu.memref_squeeze %dma_start3A_474 : memref<1x4096xi32, #tpu.memory_space<vmem_shared>> -> memref<4096xi32, #tpu.memory_space<vmem_shared>>
        %dma_start3A_476 = arith.constant 0 : i32
        %dma_start3A_477 = tpu.memref_slice %arg6[%dma_start3A_470, %dma_start3A_476] : memref<2x4096xi32, #tpu.memory_space<vmem>> -> memref<1x4096xi32, #tpu.memory_space<vmem>>
        %dma_start3A_478 = tpu.memref_squeeze %dma_start3A_477 : memref<1x4096xi32, #tpu.memory_space<vmem>> -> memref<4096xi32, #tpu.memory_space<vmem>>
        %dma_start3A_479 = tpu.memref_slice %arg8[%select_n3A_451, %mul3A_469] : memref<4x16384xi32, #tpu.memory_space<vmem_shared>> -> memref<1x4096xi32, #tpu.memory_space<vmem_shared>>
        %dma_start3A_480 = tpu.memref_squeeze %dma_start3A_479 : memref<1x4096xi32, #tpu.memory_space<vmem_shared>> -> memref<4096xi32, #tpu.memory_space<vmem_shared>>
        tpu.enqueue_dma source(%dma_start3A_480 : memref<4096xi32, #tpu.memory_space<vmem_shared>>) target(%dma_start3A_478 : memref<4096xi32, #tpu.memory_space<vmem>>) target_semaphore(%arg11 : memref<!tpu.dma_semaphore, #tpu.memory_space<semaphore_mem>>)
      } else {
      }
      %add3A_378 = arith.constant 1 : i32
      %add3A_379 = arith.addi %scan3A_49, %add3A_378 : i32
      %lt3A_380 = arith.constant 26 : i32
      %lt3A_381 = arith.cmpi slt, %add3A_379, %lt3A_380 : i32
      %convert_element_type3A_382 = arith.extui %lt3A_381 : i1 to i32
      %cond3A_383 = arith.constant 0 : i32
      %cond3A_384 = arith.cmpi ne, %convert_element_type3A_382, %cond3A_383 : i32
      scf.if %cond3A_384 {
        %add3A_410 = arith.constant 1 : i32
        %add3A_411 = arith.addi %scan3A_49, %add3A_410 : i32
        %dma_start3A_412 = arith.constant 0 : i32
        %dma_start3A_413 = tpu.memref_slice %arg3[%add3A_411, %add3A, %dma_start3A_412] : memref<26x32x100000xf32, #tpu.memory_space<hbm>> -> memref<1x1x100000xf32, #tpu.memory_space<hbm>>
        %dma_start3A_414 = tpu.memref_squeeze %dma_start3A_413 : memref<1x1x100000xf32, #tpu.memory_space<hbm>> -> memref<100000xf32, #tpu.memory_space<hbm>>
        %dma_start3A_415 = arith.constant 0 : i32
        %dma_start3A_416 = tpu.memref_slice %arg3[%add3A_411, %add3A, %dma_start3A_415] : memref<26x32x100000xf32, #tpu.memory_space<hbm>> -> memref<1x1x100000xf32, #tpu.memory_space<hbm>>
        %dma_start3A_417 = tpu.memref_squeeze %dma_start3A_416 : memref<1x1x100000xf32, #tpu.memory_space<hbm>> -> memref<100000xf32, #tpu.memory_space<hbm>>
        tpu.enqueue_dma source(%dma_start3A_417 : memref<100000xf32, #tpu.memory_space<hbm>>) target(%arg5 : memref<100000xf32, #tpu.memory_space<vmem>>) target_semaphore(%arg9 : memref<!tpu.dma_semaphore, #tpu.memory_space<semaphore_mem>>)
      } else {
      }
      %eq3A_385 = arith.constant 0 : i32
      %eq3A_386 = arith.cmpi eq, %arg1, %eq3A_385 : i32
      %ge3A = arith.constant 1 : i32
      %ge3A_387 = arith.cmpi sge, %scan3A_49, %ge3A : i32
      %and3A_388 = arith.andi %eq3A_386, %ge3A_387 : i1
      %add3A_389 = arith.constant 4 : i32
      %add3A_390 = arith.addi %scan3A_49, %add3A_389 : i32
      %sub3A_391 = arith.constant 1 : i32
      %sub3A_392 = arith.subi %add3A_390, %sub3A_391 : i32
      %lt3A_393 = arith.constant 26 : i32
      %lt3A_394 = arith.cmpi slt, %sub3A_392, %lt3A_393 : i32
      %and3A_395 = arith.andi %and3A_388, %lt3A_394 : i1
      %convert_element_type3A_396 = arith.extui %and3A_395 : i1 to i32
      %cond3A_397 = arith.constant 0 : i32
      %cond3A_398 = arith.cmpi ne, %convert_element_type3A_396, %cond3A_397 : i32
      scf.if %cond3A_398 {
        %add3A_410 = arith.constant 4 : i32
        %add3A_411 = arith.addi %scan3A_49, %add3A_410 : i32
        %sub3A_412 = arith.constant 1 : i32
        %sub3A_413 = arith.subi %add3A_411, %sub3A_412 : i32
        %jit3A_414 = arith.constant 4 : i32
        %eq3A_415 = arith.constant 0 : i32
        %eq3A_416 = arith.cmpi eq, %jit3A_414, %eq3A_415 : i32
        %jit3A_417 = arith.constant 1 : i32
        %select_n3A_418 = arith.select %eq3A_416, %jit3A_417, %jit3A_414 : i32
        %rem3A_419 = arith.remsi %sub3A_413, %select_n3A_418 : i32
        %ne3A_420 = arith.constant 0 : i32
        %ne3A_421 = arith.cmpi ne, %rem3A_419, %ne3A_420 : i32
        %lt3A_422 = arith.constant 0 : i32
        %lt3A_423 = arith.cmpi slt, %rem3A_419, %lt3A_422 : i32
        %lt3A_424 = arith.constant 0 : i32
        %lt3A_425 = arith.cmpi slt, %select_n3A_418, %lt3A_424 : i32
        %ne3A_426 = arith.xori %lt3A_423, %lt3A_425 : i1
        %and3A_427 = arith.andi %ne3A_426, %ne3A_421 : i1
        %add3A_428 = arith.addi %rem3A_419, %select_n3A_418 : i32
        %select_n3A_429 = arith.select %and3A_427, %add3A_428, %rem3A_419 : i32
        %dma_wait3A_430 = arith.constant 0 : i32
        %dma_wait3A_431 = tpu.memref_slice %arg8[%select_n3A_429, %dma_wait3A_430] : memref<4x16384xi32, #tpu.memory_space<vmem_shared>> -> memref<1x16384xi32, #tpu.memory_space<vmem_shared>>
        %dma_wait3A_432 = tpu.memref_squeeze %dma_wait3A_431 : memref<1x16384xi32, #tpu.memory_space<vmem_shared>> -> memref<16384xi32, #tpu.memory_space<vmem_shared>>
        %dma_wait3A_433 = arith.constant 0 : i32
        %dma_wait3A_434 = tpu.memref_slice %arg2[%sub3A_413, %dma_wait3A_433] : memref<26x16384xi32, #tpu.memory_space<hbm>> -> memref<1x16384xi32, #tpu.memory_space<hbm>>
        %dma_wait3A_435 = tpu.memref_squeeze %dma_wait3A_434 : memref<1x16384xi32, #tpu.memory_space<hbm>> -> memref<16384xi32, #tpu.memory_space<hbm>>
        tpu.wait_dma2 semaphore(%arg12 : memref<!tpu.dma_semaphore, #tpu.memory_space<semaphore_mem>>) src(%dma_wait3A_435 : memref<16384xi32, #tpu.memory_space<hbm>>) dst(%dma_wait3A_432 : memref<16384xi32, #tpu.memory_space<vmem_shared>>)
      } else {
      }
      %barrier3A_399 = arith.constant 0 : index
      tpu.barrier barrier_id(%barrier3A_399)
      %eq3A_400 = arith.constant 0 : i32
      %eq3A_401 = arith.cmpi eq, %arg1, %eq3A_400 : i32
      %add3A_402 = arith.constant 4 : i32
      %add3A_403 = arith.addi %scan3A_49, %add3A_402 : i32
      %lt3A_404 = arith.constant 26 : i32
      %lt3A_405 = arith.cmpi slt, %add3A_403, %lt3A_404 : i32
      %and3A_406 = arith.andi %eq3A_401, %lt3A_405 : i1
      %convert_element_type3A_407 = arith.extui %and3A_406 : i1 to i32
      %cond3A_408 = arith.constant 0 : i32
      %cond3A_409 = arith.cmpi ne, %convert_element_type3A_407, %cond3A_408 : i32
      scf.if %cond3A_409 {
        %add3A_410 = arith.constant 4 : i32
        %add3A_411 = arith.addi %scan3A_49, %add3A_410 : i32
        %jit3A_412 = arith.constant 4 : i32
        %eq3A_413 = arith.constant 0 : i32
        %eq3A_414 = arith.cmpi eq, %jit3A_412, %eq3A_413 : i32
        %jit3A_415 = arith.constant 1 : i32
        %select_n3A_416 = arith.select %eq3A_414, %jit3A_415, %jit3A_412 : i32
        %rem3A_417 = arith.remsi %add3A_411, %select_n3A_416 : i32
        %ne3A_418 = arith.constant 0 : i32
        %ne3A_419 = arith.cmpi ne, %rem3A_417, %ne3A_418 : i32
        %lt3A_420 = arith.constant 0 : i32
        %lt3A_421 = arith.cmpi slt, %rem3A_417, %lt3A_420 : i32
        %lt3A_422 = arith.constant 0 : i32
        %lt3A_423 = arith.cmpi slt, %select_n3A_416, %lt3A_422 : i32
        %ne3A_424 = arith.xori %lt3A_421, %lt3A_423 : i1
        %and3A_425 = arith.andi %ne3A_424, %ne3A_419 : i1
        %add3A_426 = arith.addi %rem3A_417, %select_n3A_416 : i32
        %select_n3A_427 = arith.select %and3A_425, %add3A_426, %rem3A_417 : i32
        %dma_start3A_428 = arith.constant 0 : i32
        %dma_start3A_429 = tpu.memref_slice %arg8[%select_n3A_427, %dma_start3A_428] : memref<4x16384xi32, #tpu.memory_space<vmem_shared>> -> memref<1x16384xi32, #tpu.memory_space<vmem_shared>>
        %dma_start3A_430 = tpu.memref_squeeze %dma_start3A_429 : memref<1x16384xi32, #tpu.memory_space<vmem_shared>> -> memref<16384xi32, #tpu.memory_space<vmem_shared>>
        %dma_start3A_431 = arith.constant 0 : i32
        %dma_start3A_432 = tpu.memref_slice %arg2[%add3A_411, %dma_start3A_431] : memref<26x16384xi32, #tpu.memory_space<hbm>> -> memref<1x16384xi32, #tpu.memory_space<hbm>>
        %dma_start3A_433 = tpu.memref_squeeze %dma_start3A_432 : memref<1x16384xi32, #tpu.memory_space<hbm>> -> memref<16384xi32, #tpu.memory_space<hbm>>
        tpu.enqueue_dma source(%dma_start3A_433 : memref<16384xi32, #tpu.memory_space<hbm>>) target(%dma_start3A_430 : memref<16384xi32, #tpu.memory_space<vmem_shared>>) target_semaphore(%arg12 : memref<!tpu.dma_semaphore, #tpu.memory_space<semaphore_mem>>)
      } else {
      }
    }
    %scan3A_48 = arith.constant 26 : i32
    "tpu.region"() ({
      %run_scoped3A = tpu.sem_alloc : memref<!tpu.dma_semaphore, #tpu.memory_space<semaphore_mem>>
      %dma_start3A_49 = arith.constant 0 : i32
      %dma_start3A_50 = tpu.memref_slice %arg4[%add3A, %dma_start3A_49] : memref<32x16384xf32, #tpu.memory_space<hbm>> -> memref<1x16384xf32, #tpu.memory_space<hbm>>
      %dma_start3A_51 = tpu.memref_squeeze %dma_start3A_50 : memref<1x16384xf32, #tpu.memory_space<hbm>> -> memref<16384xf32, #tpu.memory_space<hbm>>
      %dma_start3A_52 = arith.constant 0 : i32
      %dma_start3A_53 = tpu.memref_slice %arg4[%add3A, %dma_start3A_52] : memref<32x16384xf32, #tpu.memory_space<hbm>> -> memref<1x16384xf32, #tpu.memory_space<hbm>>
      %dma_start3A_54 = tpu.memref_squeeze %dma_start3A_53 : memref<1x16384xf32, #tpu.memory_space<hbm>> -> memref<16384xf32, #tpu.memory_space<hbm>>
      tpu.enqueue_dma source(%arg7 : memref<16384xf32, #tpu.memory_space<vmem>>) target(%dma_start3A_54 : memref<16384xf32, #tpu.memory_space<hbm>>) target_semaphore(%run_scoped3A : memref<!tpu.dma_semaphore, #tpu.memory_space<semaphore_mem>>)
      %dma_wait3A = arith.constant 0 : i32
      %dma_wait3A_55 = tpu.memref_slice %arg4[%add3A, %dma_wait3A] : memref<32x16384xf32, #tpu.memory_space<hbm>> -> memref<1x16384xf32, #tpu.memory_space<hbm>>
      %dma_wait3A_56 = tpu.memref_squeeze %dma_wait3A_55 : memref<1x16384xf32, #tpu.memory_space<hbm>> -> memref<16384xf32, #tpu.memory_space<hbm>>
      %dma_wait3A_57 = arith.constant 0 : i32
      %dma_wait3A_58 = tpu.memref_slice %arg4[%add3A, %dma_wait3A_57] : memref<32x16384xf32, #tpu.memory_space<hbm>> -> memref<1x16384xf32, #tpu.memory_space<hbm>>
      %dma_wait3A_59 = tpu.memref_squeeze %dma_wait3A_58 : memref<1x16384xf32, #tpu.memory_space<hbm>> -> memref<16384xf32, #tpu.memory_space<hbm>>
      tpu.wait_dma2 semaphore(%run_scoped3A : memref<!tpu.dma_semaphore, #tpu.memory_space<semaphore_mem>>) src(%arg7 : memref<16384xf32, #tpu.memory_space<vmem>>) dst(%dma_wait3A_59 : memref<16384xf32, #tpu.memory_space<hbm>>)
      tpu.yield
    }) : () -> ()
    return
  }
}

</mosaic_0001>

<sc_bundles>
// kernel: _emb_call.3.cloned.1.call-start
scs
__scs_entry_jumppad:
0x0: {  	(pc) =	sbr.rel $0x88, $3  }
0x1: {  	(tag) =	ssettag $0x0;
	lr =	simm.s32 $0x1  }
0x2: {  	[smem:$0x3F9F] =	sst lr;
	_ =	strace $0xD0000000  }
0x3: {  	_ = 	snop  }
0x4: {  	_ = 	snop  }
0x5: {  	_ = 	snop  }
0x6: {  	_ = 	snop  }
0x7: {  	_ = 	snop  }
__scs_overlays_trampoline_lowered:
0x8: {  	[smem:$0x3FAE] =	sst s0  }
0x9: {  	[smem:$0x3FAF] =	sst s1  }
0xa: {  	[smem:$0x3FB0] =	sst s2  }
0xb: {  	[smem:$0x3FB1] =	sst s3  }
0xc: {  	[smem:$0x3FB2] =	sst s4  }
0xd: {  	[smem:$0x3FB3] =	sst s5  }
0xe: {  	[smem:$0x3FB4] =	sst s6  }
0xf: {  	[smem:$0x3FB5] =	sst s7  }
0x10: {  	[smem:$0x3FB6] =	sst s8  }
0x11: {  	[smem:$0x3FB7] =	sst s9;
	s0 =	simm.s32 @!p0 $0x0  }
0x12: {  	s1 =	sld [smem:$0x3F9D];
	s0 =	simm.s32 @p0 $0x1  }
0x13: {  	[smem:$0x3FB8] =	sst s0;
	s0 =	simm.s32 @!p1 $0x0  }
0x14: {  	s2 =	sld [smem:$0x3F9C];
	s0 =	simm.s32 @p1 $0x1  }
0x15: {  	[smem:$0x3FB9] =	sst s0;
	s0 =	simm.s32 @!p2 $0x0  }
0x16: {  	s3 =	sld [smem:$0x3FDB];
	s0 =	simm.s32 @p2 $0x1  }
0x17: {  	s4 =	simm.s32 $0x1BF5;
	[smem:$0x3FBB] =	sst s0  }
0x18: {  	s0 =	sld [smem:$0x3F9E];
	_ =	swait.ge [sflag:s4], $0x0  }
0x19: {  	s7 =	sld [smem:$0x3F9F]  }
0x1a: {  	s8 =	sadd.s32 $0xFFFFE003, lr  }
0x1b: {  	s9 =	sadd.s32 $0xFFFFFEF7, lr;
	s5 =	simm.s32 $0xFFFFFFFF;
	p2 =	slt.u32 s8, $0xFFFFF086  }
0x1c: {  	p1 =	slt.u32 s9, $0xF7A;
	s5 =	simm.s32 @!p2 $0x0  }
0x1d: {  	s5 =	simm.s32 @p1 $0x1;
	p0 =	seq.s32 s7, s2  }
0x1e: {  	s7 =	smul.u32 @!p0 $0xF7A, s2;
	p2 =	seq.s32 @!p0 s5, $0x0  }
0x1f: {  	s9 =	smul.u32 $0xF7A, s1;
	s8 =	simm.s32 @!p0 $0x1BF5;
	p2 =	por !p2, p0  }
0x20: {  	[sflag:s8] =	ssyncset.s32 @!p0 $0xFFFFF086;
	s6 =	sadd.s32 @!p0 s3, s7;
	s7 =	simm.s32 @!p0 $0x108  }
0x21: {  	s3 =	sadd.s32 s3, s9;
	s6 =	sadd.s32 @!p0 $0x88, s6;
	s7 =	simm.s32 @p2 $0x1082  }
0x22: {  	[simem:s7], [sflag:s8] =	dma.local @!p0 [hbm:s6], $0xF7A  }
0x23: {  	s9 =	sor.u32 $0xD0000000, s2;
	s6 =	simm.s32 $0x108;
	_ =	swait.ge @!p0 [sflag:s8], $0x0  }
0x24: {  	s3 =	sadd.s32 $0x88, s3;
	s6 =	simm.s32 @!p1 $0x1082;
	[sflag:s4] =	ssyncset.s32 $0xFFFFF086  }
0x25: {  	[simem:s6], [sflag:s4] =	dma.local [hbm:s3], $0xF7A  }
0x26: {  	[smem:$0x3F9F] =	sst s1;
	(tag) =	ssettag s2;
	_ =	strace s9  }
0x27: {  	s1 =	sld [smem:$0x3FAF]  }
0x28: {  	s2 =	sld [smem:$0x3FB0]  }
0x29: {  	s4 =	sld [smem:$0x3FB2]  }
0x2a: {  	p0 =	seq.s32 s5, $0x0;
	s5 =	sld [smem:$0x3FB3]  }
0x2b: {  	s6 =	sld [smem:$0x3FB4]  }
0x2c: {  	s7 =	sld [smem:$0x3FB5]  }
0x2d: {  	s3 =	simm.s32 $0x108;
	s8 =	sld [smem:$0x3FB6]  }
0x2e: {  	s3 =	simm.s32 @!p0 $0x1082;
	s9 =	sld [smem:$0x3FB7]  }
0x2f: {  	lr =	sadd.s32 s0, s3;
	s0 =	sld [smem:$0x3FAE]  }
0x30: {  	s3 =	sld [smem:$0x3FB1]  }
0x31: {  	[smem:$0x3FBA] =	sst s10  }
0x32: {  	s10 =	sld [smem:$0x3FB8];
	_ =	sdelay $0x3  }
0x33: {  	p0 =	seq.s32 s10, $0x1;
	s10 =	sld [smem:$0x3FBA];
	_ =	sdelay $0x3  }
0x34: {  	[smem:$0x3FBA] =	sst s10  }
0x35: {  	s10 =	sld [smem:$0x3FB9];
	_ =	sdelay $0x3  }
0x36: {  	p1 =	seq.s32 s10, $0x1;
	s10 =	sld [smem:$0x3FBA];
	_ =	sdelay $0x3  }
0x37: {  	[smem:$0x3FBA] =	sst s10  }
0x38: {  	s10 =	sld [smem:$0x3FBB]  }
0x39: {  	_ = 	snop;
	(pc) =	sbr.ind lr, $3  }
0x3a: {  	_ = 	snop  }
0x3b: {  	_ = 	snop  }
0x3c: {  	p2 =	seq.s32 s10, $0x1;
	s10 =	sld [smem:$0x3FBA]  }
0x3d: {  	_ =	shalt  }
0x3e: {  	_ =	shalt  }
0x3f: {  	_ =	shalt  }
0x40: {  	_ =	shalt  }
0x41: {  	_ =	shalt  }
0x42: {  	_ =	shalt  }
0x43: {  	_ =	shalt  }
0x44: {  	_ =	shalt  }
0x45: {  	_ =	shalt  }
0x46: {  	_ =	shalt  }
0x47: {  	_ =	shalt  }
0x48: {  	_ =	shalt  }
0x49: {  	_ =	shalt  }
0x4a: {  	_ =	shalt  }
0x4b: {  	_ =	shalt  }
0x4c: {  	_ =	shalt  }
0x4d: {  	_ =	shalt  }
0x4e: {  	_ =	shalt  }
0x4f: {  	_ =	shalt  }
0x50: {  	_ =	shalt  }
0x51: {  	_ =	shalt  }
0x52: {  	_ =	shalt  }
0x53: {  	_ =	shalt  }
0x54: {  	_ =	shalt  }
0x55: {  	_ =	shalt  }
0x56: {  	_ =	shalt  }
0x57: {  	_ =	shalt  }
0x58: {  	_ =	shalt  }
0x59: {  	_ =	shalt  }
0x5a: {  	_ =	shalt  }
0x5b: {  	_ =	shalt  }
0x5c: {  	_ =	shalt  }
0x5d: {  	_ =	shalt  }
0x5e: {  	_ =	shalt  }
0x5f: {  	_ =	shalt  }
0x60: {  	_ =	shalt  }
0x61: {  	_ =	shalt  }
0x62: {  	_ =	shalt  }
0x63: {  	_ =	shalt  }
0x64: {  	_ =	shalt  }
0x65: {  	_ =	shalt  }
0x66: {  	_ =	shalt  }
0x67: {  	_ =	shalt  }
0x68: {  	_ =	shalt  }
0x69: {  	_ =	shalt  }
0x6a: {  	_ =	shalt  }
0x6b: {  	_ =	shalt  }
0x6c: {  	_ =	shalt  }
0x6d: {  	_ =	shalt  }
0x6e: {  	_ =	shalt  }
0x6f: {  	_ =	shalt  }
0x70: {  	_ =	shalt  }
0x71: {  	_ =	shalt  }
0x72: {  	_ =	shalt  }
0x73: {  	_ =	shalt  }
0x74: {  	_ =	shalt  }
0x75: {  	_ =	shalt  }
0x76: {  	_ =	shalt  }
0x77: {  	_ =	shalt  }
0x78: {  	_ =	shalt  }
0x79: {  	_ =	shalt  }
0x7a: {  	_ =	shalt  }
0x7b: {  	_ =	shalt  }
0x7c: {  	_ =	shalt  }
0x7d: {  	_ =	shalt  }
0x7e: {  	_ =	shalt  }
0x7f: {  	_ =	shalt  }
0x80: {  	_ =	shalt  }
0x81: {  	_ =	shalt  }
0x82: {  	_ =	shalt  }
0x83: {  	_ =	shalt  }
0x84: {  	_ =	shalt  }
0x85: {  	_ =	shalt  }
0x86: {  	_ =	shalt  }
0x87: {  	_ =	shalt  }
.Lfunc_end0:
.L_simem_size_0:
called_computation_lowered:
.L_overlay_start_0:
0x88: {  	s2 =	sld [smem:$0x3FD9]  }
0x89: {  	s3 =	sld [smem:$0x3FFE];
	_ =	sdelay $0x1  }
0x8a: {  	s1 =	srdreg.scid  }
0x8b: {  	s0 =	sand.u32 $0x1, s1  }
0x8c: {  	s18 =	sshll.u32 s0, $0xA;
	s2 =	sadd.s32 s3, s2  }
0x8d: {  	s2 =	sadd.s32 s2, s18  }
0x8e: {  	[smem:$0x3FC6] =	sst s2  }
0x8f: {  	_ = 	snop  }
0x90: {  	s2 =	sld [smem:$0x3FC9]  }
0x91: {  	s19 =	sld [smem:$0x3FC8]  }
0x92: {  	s4 =	sld [smem:$0x3FD0];
	(tm) =	ssettm $0x1  }
0x93: {  	s5 =	sld [smem:$0x3FFB];
	_ =	sdelay $0x3  }
0x94: {  	_ =	strace s5  }
0x95: {  	s5 =	sld [smem:$0x3FFC];
	_ =	sdelay $0x3  }
0x96: {  	_ =	strace s5  }
0x97: {  	s5 =	sld [smem:$0x3FFD];
	_ =	sdelay $0x3  }
0x98: {  	_ =	strace s5  }
0x99: {  	_ =	strace $0x8FFFFFFF  }
0x9a: {  	s20 =	sld [smem:$0x3FDB];
	_ =	sdelay $0x1  }
0x9b: {  	s6 =	simm.s32 $_scs_section_size  }
0x9c: {  	s7 =	simm.s32 $_size__tile_overlayer_lowered;
	s8 =	simm.s32 $_tile_overlayer_lowered  }
0x9d: {  	s23 =	simm.s32 $0x1BFF;
	s22 =	sshll.u32 s8, $0x1;
	s5 =	sadd.s32 s6, s20  }
0x9e: {  	s9 =	simm.s32 $0x0;
	s21 =	sshll.u32 s7, $0x1;
	s7 =	sadd.s32 s22, s5  }
0x9f: {  	[timem:s9], [sflag:s23] =	dma.local [hbm:s7], s21  }
0xa0: {  	_ =	swait.ge [sflag:s23], s21  }
0xa1: {  	s6 =	ssub.s32 $0x0, s21;
	[sflag:s23] =	ssyncset.done $0x0  }
0xa2: {  	[sflag:s23] =	ssyncadd.s32 s6;
	_ =	sdelay $0x1  }
0xa3: {  	s24 =	simm.s32 $0x1B8B  }
0xa4: {  	_ =	swait.ge [sflag:s24], $0x1  }
0xa5: {  	[sflag:s24] =	ssyncset.done $0x0  }
0xa6: {  	s25 =	simm.s32 $0x1B8E;
	[sflag:s24] =	ssyncadd.s32 $0xFFFFFFFF  }
0xa7: {  	s26 =	simm.s32 $execute0_lowered;
	[smem:$0x3FD2] =	sst s25  }
0xa8: {  	s6 =	sshll.u32 s26, $0x1;
	_ =	strace $0x80000046;
	[dreg:$0x1] =	wrdreg $0xFFFFFFFF  }
0xa9: {  	s28 =	simm.s32 $_size_execute0_lowered;
	s5 =	sadd.s32 s5, s6;
	[dreg:$0x0] =	wrdreg $0x0  }
0xaa: {  	s6 =	sshll.u32 s28, $0x1;
	[dreg:$0x2] =	wrdreg s5  }
0xab: {  	[dreg:$0x3] =	wrdreg s6  }
0xac: {  	[dreg:$0x4] =	wrdreg $0xC0  }
0xad: {  	_ =	task [dreg:s9], $0x5FFFF  }
0xae: {  	[dreg:$0x1] =	wrdreg $0xFFFFFFFF  }
0xaf: {  	[dreg:$0x0] =	wrdreg $0x60  }
0xb0: {  	[dreg:$0x2] =	wrdreg s2  }
0xb1: {  	[dreg:$0x3] =	wrdreg s19  }
0xb2: {  	[dreg:$0x4] =	wrdreg s4  }
0xb3: {  	[dreg:$0x5] =	wrdreg $0x1E7000  }
0xb4: {  	[dreg:$0x6] =	wrdreg $0x9  }
0xb5: {  	_ =	task.clear_ibuf [dreg:s9], $0x7FFFF;
	_ =	strace $0x90000046  }
0xb6: {  	s29 =	simm.s32 $0x9;
	_ =	strace $0x80000048  }
0xb7: {  	_ =	swait.ge [sflag:s29], $0x1  }
0xb8: {  	[sflag:s29] =	ssyncadd.s32 $0xFFFFFFFF  }
0xb9: {  	_ =	strace $0x90000048  }
0xba: {  	_ =	sfence  }
0xbb: {  	s30 =	sld [smem:$0x0];
	_ =	sdelay $0x2  }
0xbc: {  	s31 =	sshll.u32 s1, $0xD;
	s1 =	sshrl.u32 s1, $0x2  }
0xbd: {  	s3 =	sand.u32 $0x4000, s31;
	s1 =	sadd.s32 s1, s30  }
0xbe: {  	s0 =	sor.u32 s3, s0;
	s1 =	sshll.u32 s1, $0x11  }
0xbf: {  	s0 =	sor.u32 s1, s0  }
0xc0: {  	s0 =	sadd.s32 $0x8F2B, s0  }
0xc1: {  	[sflag:s0] =	ssyncadd.remote.s32 $0x1  }
0xc2: {  	_ =	sfence.sel $0xFFFF  }
0xc3: {  	[dreg:$0x0] =	wrdreg $0xFFFFFFFF;
	(pc) =	sbr.abs _section_cstart, $3  }
0xc4: {  	[dreg:$0x1] =	wrdreg $0xFFFFFFFF  }
0xc5: {  	_ =	task.clear_ibuf [dreg:s9], $0x2FFFF;
	_ =	strace $0x9FFFFFFF  }
0xc6: {  	(tm) =	ssettm $0x7FFFFFFF  }
0xc7: {  	_ =	shalt  }
tec
execute0_lowered:
.L_overlay_start_1:
0x0: {  	(tag) =	ssettag $0x1  }
0x1: {  	s9 =	rddreg [dreg:$0x1]  }
0x2: {  	s0 =	rddreg [dreg:$0x2]  }
0x3: {  	s3 =	rddreg [dreg:$0x3];
	s4 =	simm.s32 $0x0  }
0x4: {  	[smem:$0x7FF] =	sst s4;
	s11 =	sadd.s32 $0x4000, s3  }
0x5: {  	s13 =	sadd.s32 $0x200, s3;
	_ =	strace $0x80000047;
	[dreg:$0x7] =	wrdreg s11  }
0x6: {  	s14 =	sadd.s32 $0x400, s3;
	[dreg:$0xa] =	wrdreg s13  }
0x7: {  	s15 =	sadd.s32 $0x600, s3;
	[dreg:$0xb] =	wrdreg s14  }
0x8: {  	s16 =	sadd.s32 $0x800, s3;
	[dreg:$0xc] =	wrdreg s15  }
0x9: {  	s17 =	sadd.s32 $0xA00, s3;
	[dreg:$0xd] =	wrdreg s16  }
0xa: {  	s18 =	sadd.s32 $0xC00, s3;
	[dreg:$0xe] =	wrdreg s17  }
0xb: {  	s19 =	sadd.s32 $0xE00, s3;
	[dreg:$0xf] =	wrdreg s18  }
0xc: {  	s20 =	sadd.s32 $0x1000, s3;
	[dreg:$0x10] =	wrdreg s19  }
0xd: {  	s21 =	sadd.s32 $0x1200, s3;
	[dreg:$0x11] =	wrdreg s20  }
0xe: {  	s22 =	sadd.s32 $0x1400, s3;
	[dreg:$0x12] =	wrdreg s21  }
0xf: {  	s2 =	stileid.u32;
	s23 =	sadd.s32 $0x1600, s3;
	[dreg:$0x13] =	wrdreg s22  }
0x10: {  	s5 =	sshrl.u32 s2, $0x2;
	s24 =	sadd.s32 $0x1800, s3;
	[dreg:$0x14] =	wrdreg s23  }
0x11: {  	s6 =	sshll.u32 s2, $0x8;
	s25 =	sadd.s32 $0x1A00, s3;
	[dreg:$0x15] =	wrdreg s24  }
0x12: {  	p0 =	sne.s32 s2, $0x0;
	s2 =	sadd.s32 $0x2000, s3;
	[dreg:$0x16] =	wrdreg s25  }
0x13: {  	[dreg:$0x19] =	wrdreg s2;
	s11 =	sadd.s32 $0x2E00, s3  }
0x14: {  	s13 =	sadd.s32 $0x3200, s3;
	[smem:$0x7D6] =	sst s11  }
0x15: {  	s14 =	sadd.s32 $0x3400, s3;
	[smem:$0x7D8] =	sst s13  }
0x16: {  	s15 =	sadd.s32 $0x3600, s3;
	[smem:$0x7D9] =	sst s14  }
0x17: {  	s16 =	sadd.s32 $0x3800, s3;
	[smem:$0x7DA] =	sst s15  }
0x18: {  	s17 =	sadd.s32 $0x3A00, s3;
	[smem:$0x7DB] =	sst s16  }
0x19: {  	s18 =	sadd.s32 $0x3C00, s3;
	[smem:$0x7DC] =	sst s17  }
0x1a: {  	s19 =	sadd.s32 $0x3E00, s3;
	[smem:$0x7DD] =	sst s18  }
0x1b: {  	s20 =	sadd.s32 $0x4200, s3;
	[smem:$0x7DE] =	sst s19  }
0x1c: {  	s21 =	sadd.s32 $0x4400, s3;
	[smem:$0x7DF] =	sst s20  }
0x1d: {  	s22 =	sadd.s32 $0x4600, s3;
	[smem:$0x7E0] =	sst s21  }
0x1e: {  	s23 =	sadd.s32 $0x4800, s3;
	[smem:$0x7E1] =	sst s22  }
0x1f: {  	s24 =	sadd.s32 $0x4A00, s3;
	[smem:$0x7E2] =	sst s23  }
0x20: {  	s25 =	sadd.s32 $0x4C00, s3;
	[smem:$0x7E3] =	sst s24  }
0x21: {  	s2 =	sadd.s32 $0x5200, s3;
	[smem:$0x7E4] =	sst s25  }
0x22: {  	[smem:$0x7E7] =	sst s2;
	s11 =	sadd.s32 $0x6000, s3  }
0x23: {  	s13 =	sadd.s32 $0x6400, s3;
	[smem:$0x7EE] =	sst s11  }
0x24: {  	s14 =	sadd.s32 $0x6600, s3;
	[smem:$0x7F0] =	sst s13  }
0x25: {  	s1 =	srdreg.scid;
	s15 =	sadd.s32 $0x6800, s3;
	[smem:$0x7F1] =	sst s14  }
0x26: {  	s28 =	simm.s32 $0x1A580;
	s16 =	sadd.s32 $0x6A00, s3;
	[smem:$0x7F2] =	sst s15  }
0x27: {  	s29 =	simm.s32 $0x1A680;
	s17 =	sadd.s32 $0x6C00, s3;
	[smem:$0x7F3] =	sst s16  }
0x28: {  	s30 =	simm.s32 $0x1;
	s18 =	sadd.s32 $0x6E00, s3;
	[smem:$0x7F4] =	sst s17  }
0x29: {  	s1 =	sand.u32 $0x1, s1;
	s19 =	sadd.s32 $0x7000, s3;
	[smem:$0x7F5] =	sst s18  }
0x2a: {  	s7 =	smul.u32 $0xC3800, s5;
	s20 =	sadd.s32 $0x7200, s3;
	[smem:$0x7F6] =	sst s19  }
0x2b: {  	s8 =	sshll.u32 s1, $0x7;
	s21 =	sadd.s32 $0x7400, s3;
	[smem:$0x7F7] =	sst s20  }
0x2c: {  	s6 =	sand.u32 $0x300, s6;
	s22 =	sadd.s32 $0x7600, s3;
	[smem:$0x7F8] =	sst s21  }
0x2d: {  	s1 =	ssub.s32 $0x2, s1;
	s23 =	sadd.s32 $0x7800, s3;
	[smem:$0x7F9] =	sst s22  }
0x2e: {  	s5 =	sshll.u32 s5, $0x11;
	s24 =	sadd.s32 $0x7A00, s3;
	[smem:$0x7FA] =	sst s23  }
0x2f: {  	s6 =	sor.u32 s8, s6;
	s25 =	sadd.s32 $0x7C00, s3;
	[smem:$0x7FB] =	sst s24  }
0x30: {  	s26 =	sshrl.u32 s1, $0x1;
	s8 =	sor.u32 s7, s6;
	[smem:$0x7FC] =	sst s25  }
0x31: {  	s1 =	ssub.s32 s1, s26;
	s26 =	sadd.s32 $0x1C00, s3;
	[dreg:$0x5] =	wrdreg s8  }
0x32: {  	s5 =	sor.u32 s5, s6;
	s6 =	sadd.s32 $0x2400, s3;
	[dreg:$0x17] =	wrdreg s26  }
0x33: {  	s31 =	simm.s32 $0x2;
	s7 =	sadd.s32 $0x2600, s3;
	[dreg:$0x1b] =	wrdreg s6  }
0x34: {  	s2 =	simm.s32 $0x19D80;
	s12 =	smax.u32 s1, $0x1;
	[dreg:$0x1c] =	wrdreg s7  }
0x35: {  	s15 =	simm.s32 $0x19580;
	s1 =	sadd.s32 $0x1E00, s3;
	[dreg:$0x9] =	wrdreg s12  }
0x36: {  	s16 =	simm.s32 $0x19680;
	s26 =	sadd.s32 $0x4E00, s3;
	[dreg:$0x18] =	wrdreg s1  }
0x37: {  	s17 =	simm.s32 $0x19780;
	s6 =	sadd.s32 $0x5600, s3;
	[smem:$0x7E5] =	sst s26  }
0x38: {  	s8 =	sshrl.u32 s8, $0x3;
	s7 =	sadd.s32 $0x5800, s3;
	[smem:$0x7E9] =	sst s6  }
0x39: {  	s5 =	sshrl.u32 s5, $0x3;
	s10 =	sadd.s32 s9, s8;
	[smem:$0x7EA] =	sst s7  }
0x3a: {  	s18 =	simm.s32 $0x19880;
	s0 =	sadd.s32 s0, s5;
	[dreg:$0x6] =	wrdreg s10  }
0x3b: {  	s19 =	simm.s32 $0x19980;
	s5 =	sadd.s32 $0x2200, s3;
	[dreg:$0x8] =	wrdreg s0  }
0x3c: {  	s20 =	simm.s32 $0x19A80;
	s8 =	sadd.s32 $0x2800, s3;
	[dreg:$0x1a] =	wrdreg s5  }
0x3d: {  	s21 =	simm.s32 $0x19B80;
	s9 =	sadd.s32 $0x2A00, s3;
	[dreg:$0x1d] =	wrdreg s8  }
0x3e: {  	s22 =	simm.s32 $0x19F80;
	s12 =	sadd.s32 $0x3000, s3;
	[dreg:$0x1e] =	wrdreg s9  }
0x3f: {  	s23 =	simm.s32 $0x1A080;
	s1 =	sadd.s32 $0x5000, s3;
	[smem:$0x7D7] =	sst s12  }
0x40: {  	s24 =	simm.s32 $0x1A180;
	s26 =	sadd.s32 $0x7E00, s3;
	[smem:$0x7E6] =	sst s1  }
0x41: {  	s25 =	simm.s32 $0x1A280;
	s10 =	sadd.s32 $0x2C00, s3;
	[smem:$0x7FD] =	sst s26  }
0x42: {  	s6 =	simm.s32 $0x19C80;
	s5 =	sadd.s32 $0x5400, s3;
	[dreg:$0x1f] =	wrdreg s10  }
.Ltmp0:
0x43: {  	s8 =	sadd.s32 $0x5A00, s3;
	[smem:$0x7E8] =	sst s5;
	(pc) =	sbr.rel .LBB2_1-.Ltmp0, $4  }
0x44: {  	s9 =	sadd.s32 $0x5C00, s3;
	s12 =	sadd.s32 $0x6200, s3;
	[smem:$0x7EB] =	sst s8  }
0x45: {  	s1 =	simm.s32 $0x19E80;
	s26 =	simm.s32 $0x1A480;
	[smem:$0x7EC] =	sst s9  }
0x46: {  	s0 =	simm.s32 $0x3;
	s10 =	sadd.s32 $0x5E00, s3;
	[smem:$0x7EF] =	sst s12  }
0x47: {  	v0 =	vimm.f32 $0.0e+00;
	s5 =	simm.s32 $0x1A380;
	s9 =	simm.s32 $0x0;
	[smem:$0x7ED] =	sst s10  }
.LBB2_18:
0x48: {  	[bflag:$0x0] =	sbarrier.arrive $0xFFFF  }
.LBB2_16:
0x49: {  	s7 =	rddreg [dreg:$0x8];
	s8 =	simm.s32 $0x80  }
0x4a: {  	s9 =	simm.s32 $0x400;
	s10 =	simm.s32 $0x1A700;
	s12 =	simm.s32 $0x5  }
0x4b: {  	[hbm4b:s7+s8] =	stream.strided.scatter [tilespmem:s10], [sflag:$0x5], $0x4000, s9, s8, $0x38;
	[tilespmem:$0x1F700] =	vst v63  }
0x4c: {  	_ =	swait.ge [sflag:s12], $0x4000  }
0x4d: {  	s13 =	sld [smem:$0x7D5];
	_ =	sdelay $0x2  }
0x4e: {  	s14 =	rddreg [dreg:$0x9];
	s9 =	sadd.s32 $0x1, s13  }
0x4f: {  	p1 =	sne.s32 s9, s14  }
.Ltmp1:
0x50: {  	_ = 	snop;
	(pc) =	sbr.rel @!p1 .LBB2_17-.Ltmp1, $3  }
0x51: {  	_ =	sdelay $0x1  }
0x52: {  	[sflag:s12] =	ssyncset.done $0x0  }
0x53: {  	[sflag:s12] =	ssyncadd.s32 $0xFFFFC000  }
.LBB2_1:
0x54: {  	[smem:$0x7D5] =	sst s9;
	s7 =	simm.s32 @p0 $0x80  }
0x55: {  	s8 =	simm.s32 @p0 $0x400;
	s9 =	simm.s32 @p0 $0x0;
	s13 =	rddreg [dreg:$0x6]  }
0x56: {  	s10 =	simm.s32 @!p0 $0x80;
	s11 =	simm.s32 @!p0 $0x1C04;
	s12 =	rddreg [dreg:$0x0]  }
0x57: {  	[tilespmem:s9], [sflag:$0x1] =	stream.strided.gather @p0 [hbm4b:s13+s7], $0x18700, s8, s7, $0x38;
	[tilespmem:$0x1F700] =	vst v63  }
0x58: {  	s7 =	sshrl.u32 @!p0 s3, $0x3;
	s8 =	simm.s32 @!p0 $0x4;
	s9 =	simm.s32 @!p0 $0x40  }
0x59: {  	[spmem:s7@s9], [sflag:s11] =	dma.strided @!p0 [hbm:s12@s10], $0x2000, s8, $0x10   }
0x5a: {  	s7 =	simm.s32 @!p0 $0x400;
	s9 =	simm.s32 @!p0 $0x0  }
0x5b: {  	[tilespmem:s9], [sflag:$0x1] =	stream.strided.gather @!p0 [hbm4b:s13+s10], $0x18700, s7, s10, $0x38;
	[tilespmem:$0x1F700] =	vst v63  }
0x5c: {  	_ =	swait.ge @!p0 [sflag:s8], $0x2000  }
0x5d: {  	[sflag:s8] =	ssyncset.done @!p0 $0x0  }
0x5e: {  	[sflag:s8] =	ssyncadd.s32 @!p0 $0xFFFFE000  }
0x5f: {  	s10 =	simm.s32 $0x18700;
	[bflag:$0x0] =	sbarrier.arrive $0xFFFF  }
0x60: {  	[tilespmem:s10], [sflag:$0x2] =	stream.linear.gather [spmem:s3], $0x80, $0x38;
	[tilespmem:$0x1F700] =	vst v63  }
0x61: {  	s11 =	rddreg [dreg:$0xa]  }
0x62: {  	s12 =	simm.s32 $0x18800;
	s13 =	rddreg [dreg:$0xb]  }
0x63: {  	[tilespmem:s12], [sflag:$0x2] =	stream.linear.gather [spmem:s11], $0x80, $0x38;
	[tilespmem:$0x1F700] =	vst v63  }
0x64: {  	s14 =	simm.s32 $0x18900;
	s9 =	rddreg [dreg:$0xc]  }
0x65: {  	[tilespmem:s14], [sflag:$0x2] =	stream.linear.gather [spmem:s13], $0x80, $0x38;
	[tilespmem:$0x1F700] =	vst v63  }
0x66: {  	s10 =	simm.s32 $0x18A00;
	s11 =	rddreg [dreg:$0xd]  }
0x67: {  	[tilespmem:s10], [sflag:$0x2] =	stream.linear.gather [spmem:s9], $0x80, $0x38;
	[tilespmem:$0x1F700] =	vst v63  }
0x68: {  	s12 =	simm.s32 $0x18B00;
	s13 =	rddreg [dreg:$0xe]  }
0x69: {  	[tilespmem:s12], [sflag:$0x2] =	stream.linear.gather [spmem:s11], $0x80, $0x38;
	[tilespmem:$0x1F700] =	vst v63  }
0x6a: {  	s14 =	simm.s32 $0x18C00;
	s9 =	rddreg [dreg:$0xf]  }
0x6b: {  	[tilespmem:s14], [sflag:$0x2] =	stream.linear.gather [spmem:s13], $0x80, $0x38;
	[tilespmem:$0x1F700] =	vst v63  }
0x6c: {  	s10 =	simm.s32 $0x18D00;
	s11 =	rddreg [dreg:$0x10]  }
0x6d: {  	[tilespmem:s10], [sflag:$0x2] =	stream.linear.gather [spmem:s9], $0x80, $0x38;
	[tilespmem:$0x1F700] =	vst v63  }
0x6e: {  	s12 =	simm.s32 $0x18E00;
	s13 =	rddreg [dreg:$0x11]  }
0x6f: {  	[tilespmem:s12], [sflag:$0x2] =	stream.linear.gather [spmem:s11], $0x80, $0x38;
	[tilespmem:$0x1F700] =	vst v63  }
0x70: {  	s14 =	simm.s32 $0x18F00;
	s9 =	rddreg [dreg:$0x12]  }
0x71: {  	[tilespmem:s14], [sflag:$0x2] =	stream.linear.gather [spmem:s13], $0x80, $0x38;
	[tilespmem:$0x1F700] =	vst v63  }
0x72: {  	s10 =	simm.s32 $0x19000;
	s11 =	rddreg [dreg:$0x13]  }
0x73: {  	[tilespmem:s10], [sflag:$0x2] =	stream.linear.gather [spmem:s9], $0x80, $0x38;
	[tilespmem:$0x1F700] =	vst v63  }
0x74: {  	s12 =	simm.s32 $0x19100;
	s13 =	rddreg [dreg:$0x14]  }
0x75: {  	[tilespmem:s12], [sflag:$0x2] =	stream.linear.gather [spmem:s11], $0x80, $0x38;
	[tilespmem:$0x1F700] =	vst v63  }
0x76: {  	s14 =	simm.s32 $0x19200;
	s9 =	rddreg [dreg:$0x15]  }
0x77: {  	[tilespmem:s14], [sflag:$0x2] =	stream.linear.gather [spmem:s13], $0x80, $0x38;
	[tilespmem:$0x1F700] =	vst v63  }
0x78: {  	s10 =	simm.s32 $0x19300;
	s11 =	rddreg [dreg:$0x16]  }
0x79: {  	[tilespmem:s10], [sflag:$0x2] =	stream.linear.gather [spmem:s9], $0x80, $0x38;
	[tilespmem:$0x1F700] =	vst v63  }
0x7a: {  	s12 =	simm.s32 $0x19400;
	s13 =	rddreg [dreg:$0x17]  }
0x7b: {  	[tilespmem:s12], [sflag:$0x2] =	stream.linear.gather [spmem:s11], $0x80, $0x38;
	[tilespmem:$0x1F700] =	vst v63  }
0x7c: {  	s14 =	simm.s32 $0x19500;
	s9 =	rddreg [dreg:$0x18]  }
0x7d: {  	[tilespmem:s14], [sflag:$0x2] =	stream.linear.gather [spmem:s13], $0x80, $0x38;
	[tilespmem:$0x1F700] =	vst v63  }
0x7e: {  	s10 =	simm.s32 $0x19600;
	s11 =	rddreg [dreg:$0x19]  }
0x7f: {  	[tilespmem:s10], [sflag:$0x2] =	stream.linear.gather [spmem:s9], $0x80, $0x38;
	[tilespmem:$0x1F700] =	vst v63  }
0x80: {  	s12 =	simm.s32 $0x19700;
	s13 =	rddreg [dreg:$0x1a]  }
0x81: {  	[tilespmem:s12], [sflag:$0x2] =	stream.linear.gather [spmem:s11], $0x80, $0x38;
	[tilespmem:$0x1F700] =	vst v63  }
0x82: {  	s14 =	simm.s32 $0x19800;
	s9 =	rddreg [dreg:$0x1b]  }
0x83: {  	[tilespmem:s14], [sflag:$0x2] =	stream.linear.gather [spmem:s13], $0x80, $0x38;
	[tilespmem:$0x1F700] =	vst v63  }
0x84: {  	s10 =	simm.s32 $0x19900;
	s11 =	rddreg [dreg:$0x1c]  }
0x85: {  	[tilespmem:s10], [sflag:$0x2] =	stream.linear.gather [spmem:s9], $0x80, $0x38;
	[tilespmem:$0x1F700] =	vst v63  }
0x86: {  	s12 =	simm.s32 $0x19A00;
	s13 =	rddreg [dreg:$0x1d]  }
0x87: {  	[tilespmem:s12], [sflag:$0x2] =	stream.linear.gather [spmem:s11], $0x80, $0x38;
	[tilespmem:$0x1F700] =	vst v63  }
0x88: {  	s14 =	simm.s32 $0x19B00;
	s9 =	rddreg [dreg:$0x1e]  }
0x89: {  	[tilespmem:s14], [sflag:$0x2] =	stream.linear.gather [spmem:s13], $0x80, $0x38;
	[tilespmem:$0x1F700] =	vst v63  }
0x8a: {  	s10 =	simm.s32 $0x19C00;
	s11 =	rddreg [dreg:$0x1f]  }
0x8b: {  	[tilespmem:s10], [sflag:$0x2] =	stream.linear.gather [spmem:s9], $0x80, $0x38;
	[tilespmem:$0x1F700] =	vst v63  }
0x8c: {  	s12 =	simm.s32 $0x19D00;
	s13 =	sld [smem:$0x7D6]  }
0x8d: {  	[tilespmem:s12], [sflag:$0x2] =	stream.linear.gather [spmem:s11], $0x80, $0x38;
	[tilespmem:$0x1F700] =	vst v63  }
0x8e: {  	s14 =	simm.s32 $0x19E00;
	s9 =	sld [smem:$0x7D7]  }
0x8f: {  	[tilespmem:s14], [sflag:$0x2] =	stream.linear.gather [spmem:s13], $0x80, $0x38;
	[tilespmem:$0x1F700] =	vst v63  }
0x90: {  	s10 =	simm.s32 $0x19F00;
	s11 =	sld [smem:$0x7D8]  }
0x91: {  	[tilespmem:s10], [sflag:$0x2] =	stream.linear.gather [spmem:s9], $0x80, $0x38;
	[tilespmem:$0x1F700] =	vst v63  }
0x92: {  	s12 =	simm.s32 $0x1A000;
	s13 =	sld [smem:$0x7D9]  }
0x93: {  	[tilespmem:s12], [sflag:$0x2] =	stream.linear.gather [spmem:s11], $0x80, $0x38;
	[tilespmem:$0x1F700] =	vst v63  }
0x94: {  	s14 =	simm.s32 $0x1A100;
	s9 =	sld [smem:$0x7DA]  }
0x95: {  	[tilespmem:s14], [sflag:$0x2] =	stream.linear.gather [spmem:s13], $0x80, $0x38;
	[tilespmem:$0x1F700] =	vst v63  }
0x96: {  	s10 =	simm.s32 $0x1A200;
	s11 =	sld [smem:$0x7DB]  }
0x97: {  	[tilespmem:s10], [sflag:$0x2] =	stream.linear.gather [spmem:s9], $0x80, $0x38;
	[tilespmem:$0x1F700] =	vst v63  }
0x98: {  	s12 =	simm.s32 $0x1A300;
	s13 =	sld [smem:$0x7DC]  }
0x99: {  	[tilespmem:s12], [sflag:$0x2] =	stream.linear.gather [spmem:s11], $0x80, $0x38;
	[tilespmem:$0x1F700] =	vst v63  }
0x9a: {  	s14 =	simm.s32 $0x1A400;
	s9 =	sld [smem:$0x7DD]  }
0x9b: {  	[tilespmem:s14], [sflag:$0x2] =	stream.linear.gather [spmem:s13], $0x80, $0x38;
	[tilespmem:$0x1F700] =	vst v63  }
0x9c: {  	s10 =	simm.s32 $0x1A500;
	s11 =	sld [smem:$0x7DE]  }
0x9d: {  	[tilespmem:s10], [sflag:$0x2] =	stream.linear.gather [spmem:s9], $0x80, $0x38;
	[tilespmem:$0x1F700] =	vst v63  }
0x9e: {  	s12 =	simm.s32 $0x1A600;
	s13 =	rddreg [dreg:$0x7]  }
0x9f: {  	[tilespmem:s12], [sflag:$0x2] =	stream.linear.gather [spmem:s11], $0x80, $0x38;
	[tilespmem:$0x1F700] =	vst v63  }
0xa0: {  	s14 =	simm.s32 $0x18780;
	s9 =	sld [smem:$0x7DF]  }
0xa1: {  	[tilespmem:s14], [sflag:$0x3] =	stream.linear.gather [spmem:s13], $0x80, $0x38;
	[tilespmem:$0x1F700] =	vst v63  }
0xa2: {  	s10 =	simm.s32 $0x18880;
	s11 =	sld [smem:$0x7E0]  }
0xa3: {  	[tilespmem:s10], [sflag:$0x3] =	stream.linear.gather [spmem:s9], $0x80, $0x38;
	[tilespmem:$0x1F700] =	vst v63  }
0xa4: {  	s12 =	simm.s32 $0x18980;
	s13 =	sld [smem:$0x7E1]  }
0xa5: {  	[tilespmem:s12], [sflag:$0x3] =	stream.linear.gather [spmem:s11], $0x80, $0x38;
	[tilespmem:$0x1F700] =	vst v63  }
0xa6: {  	s14 =	simm.s32 $0x18A80;
	s9 =	sld [smem:$0x7E2]  }
0xa7: {  	[tilespmem:s14], [sflag:$0x3] =	stream.linear.gather [spmem:s13], $0x80, $0x38;
	[tilespmem:$0x1F700] =	vst v63  }
0xa8: {  	s10 =	simm.s32 $0x18B80;
	s11 =	sld [smem:$0x7E3]  }
0xa9: {  	[tilespmem:s10], [sflag:$0x3] =	stream.linear.gather [spmem:s9], $0x80, $0x38;
	[tilespmem:$0x1F700] =	vst v63  }
0xaa: {  	s12 =	simm.s32 $0x18C80;
	s13 =	sld [smem:$0x7E4]  }
0xab: {  	[tilespmem:s12], [sflag:$0x3] =	stream.linear.gather [spmem:s11], $0x80, $0x38;
	[tilespmem:$0x1F700] =	vst v63  }
0xac: {  	s14 =	simm.s32 $0x18D80;
	s9 =	sld [smem:$0x7E5]  }
0xad: {  	[tilespmem:s14], [sflag:$0x3] =	stream.linear.gather [spmem:s13], $0x80, $0x38;
	[tilespmem:$0x1F700] =	vst v63  }
0xae: {  	s10 =	simm.s32 $0x18E80;
	s11 =	sld [smem:$0x7E6]  }
0xaf: {  	[tilespmem:s10], [sflag:$0x3] =	stream.linear.gather [spmem:s9], $0x80, $0x38;
	[tilespmem:$0x1F700] =	vst v63  }
0xb0: {  	s12 =	simm.s32 $0x18F80;
	s13 =	sld [smem:$0x7E7]  }
0xb1: {  	[tilespmem:s12], [sflag:$0x3] =	stream.linear.gather [spmem:s11], $0x80, $0x38;
	[tilespmem:$0x1F700] =	vst v63  }
0xb2: {  	s14 =	simm.s32 $0x19080;
	s9 =	sld [smem:$0x7E8]  }
0xb3: {  	[tilespmem:s14], [sflag:$0x3] =	stream.linear.gather [spmem:s13], $0x80, $0x38;
	[tilespmem:$0x1F700] =	vst v63  }
0xb4: {  	s10 =	simm.s32 $0x19180;
	s11 =	sld [smem:$0x7E9]  }
0xb5: {  	[tilespmem:s10], [sflag:$0x3] =	stream.linear.gather [spmem:s9], $0x80, $0x38;
	[tilespmem:$0x1F700] =	vst v63  }
0xb6: {  	s12 =	simm.s32 $0x19280;
	s13 =	sld [smem:$0x7EA]  }
0xb7: {  	[tilespmem:s12], [sflag:$0x3] =	stream.linear.gather [spmem:s11], $0x80, $0x38;
	[tilespmem:$0x1F700] =	vst v63  }
0xb8: {  	s14 =	simm.s32 $0x19380;
	s9 =	sld [smem:$0x7EB]  }
0xb9: {  	[tilespmem:s14], [sflag:$0x3] =	stream.linear.gather [spmem:s13], $0x80, $0x38;
	[tilespmem:$0x1F700] =	vst v63  }
0xba: {  	s10 =	simm.s32 $0x19480;
	s11 =	sld [smem:$0x7EC]  }
0xbb: {  	[tilespmem:s10], [sflag:$0x3] =	stream.linear.gather [spmem:s9], $0x80, $0x38;
	[tilespmem:$0x1F700] =	vst v63  }
0xbc: {  	s12 =	sld [smem:$0x7ED]  }
0xbd: {  	[tilespmem:s15], [sflag:$0x3] =	stream.linear.gather [spmem:s11], $0x80, $0x38;
	[tilespmem:$0x1F700] =	vst v63  }
0xbe: {  	s13 =	sld [smem:$0x7EE]  }
0xbf: {  	[tilespmem:s16], [sflag:$0x3] =	stream.linear.gather [spmem:s12], $0x80, $0x38;
	[tilespmem:$0x1F700] =	vst v63  }
0xc0: {  	s14 =	sld [smem:$0x7EF]  }
0xc1: {  	[tilespmem:s17], [sflag:$0x3] =	stream.linear.gather [spmem:s13], $0x80, $0x38;
	[tilespmem:$0x1F700] =	vst v63  }
0xc2: {  	s8 =	sld [smem:$0x7F0]  }
0xc3: {  	[tilespmem:s18], [sflag:$0x3] =	stream.linear.gather [spmem:s14], $0x80, $0x38;
	[tilespmem:$0x1F700] =	vst v63  }
0xc4: {  	s9 =	sld [smem:$0x7F1]  }
0xc5: {  	[tilespmem:s19], [sflag:$0x3] =	stream.linear.gather [spmem:s8], $0x80, $0x38;
	[tilespmem:$0x1F700] =	vst v63  }
0xc6: {  	s10 =	sld [smem:$0x7F2]  }
0xc7: {  	[tilespmem:s20], [sflag:$0x3] =	stream.linear.gather [spmem:s9], $0x80, $0x38;
	[tilespmem:$0x1F700] =	vst v63  }
0xc8: {  	s11 =	sld [smem:$0x7F3]  }
0xc9: {  	[tilespmem:s21], [sflag:$0x3] =	stream.linear.gather [spmem:s10], $0x80, $0x38;
	[tilespmem:$0x1F700] =	vst v63  }
0xca: {  	s12 =	sld [smem:$0x7F4]  }
0xcb: {  	[tilespmem:s6], [sflag:$0x3] =	stream.linear.gather [spmem:s11], $0x80, $0x38;
	[tilespmem:$0x1F700] =	vst v63  }
0xcc: {  	s13 =	sld [smem:$0x7F5]  }
0xcd: {  	[tilespmem:s2], [sflag:$0x3] =	stream.linear.gather [spmem:s12], $0x80, $0x38;
	[tilespmem:$0x1F700] =	vst v63  }
0xce: {  	s14 =	sld [smem:$0x7F6]  }
0xcf: {  	[tilespmem:s1], [sflag:$0x3] =	stream.linear.gather [spmem:s13], $0x80, $0x38;
	[tilespmem:$0x1F700] =	vst v63  }
0xd0: {  	s8 =	sld [smem:$0x7F7]  }
0xd1: {  	[tilespmem:s22], [sflag:$0x3] =	stream.linear.gather [spmem:s14], $0x80, $0x38;
	[tilespmem:$0x1F700] =	vst v63  }
0xd2: {  	s9 =	sld [smem:$0x7F8]  }
0xd3: {  	[tilespmem:s23], [sflag:$0x3] =	stream.linear.gather [spmem:s8], $0x80, $0x38;
	[tilespmem:$0x1F700] =	vst v63  }
0xd4: {  	s10 =	sld [smem:$0x7F9]  }
0xd5: {  	[tilespmem:s24], [sflag:$0x3] =	stream.linear.gather [spmem:s9], $0x80, $0x38;
	[tilespmem:$0x1F700] =	vst v63  }
0xd6: {  	s11 =	sld [smem:$0x7FA]  }
0xd7: {  	[tilespmem:s25], [sflag:$0x3] =	stream.linear.gather [spmem:s10], $0x80, $0x38;
	[tilespmem:$0x1F700] =	vst v63  }
0xd8: {  	s12 =	sld [smem:$0x7FB]  }
0xd9: {  	[tilespmem:s5], [sflag:$0x3] =	stream.linear.gather [spmem:s11], $0x80, $0x38;
	[tilespmem:$0x1F700] =	vst v63  }
0xda: {  	s13 =	sld [smem:$0x7FC]  }
0xdb: {  	[tilespmem:s26], [sflag:$0x3] =	stream.linear.gather [spmem:s12], $0x80, $0x38;
	[tilespmem:$0x1F700] =	vst v63  }
0xdc: {  	s14 =	sld [smem:$0x7FD]  }
0xdd: {  	[tilespmem:s28], [sflag:$0x3] =	stream.linear.gather [spmem:s13], $0x80, $0x38;
	[tilespmem:$0x1F700] =	vst v63  }
0xde: {  	s7 =	simm.s32 $0xFFFFFFF0;
	s8 =	simm.s32 $0x1A700  }
0xdf: {  	[tilespmem:s29], [sflag:$0x3] =	stream.linear.gather [spmem:s14], $0x80, $0x38;
	[tilespmem:$0x1F700] =	vst v63  }
.LBB2_2:
0xe0: {  	s7 =	sadd.s32 $0x10, s7  }
0xe1: {  	p1 =	slt.u32 s7, $0x3FF0  }
.Ltmp2:
0xe2: {  	_ = 	snop;
	(pc) =	sbr.rel @p1 .LBB2_2-.Ltmp2, $2  }
0xe3: {  	_ =	sdelay $0x2  }
0xe4: {  	[tilespmem:s8+$0x0] =	vst v0;
	s8 =	sadd.s32 $0x10, s8  }
0xe5: {  	s7 =	simm.s32 $0x0  }
.LBB2_4:
0xe6: {  	_ =	swait.ge [sflag:s30], $0x18700  }
0xe7: {  	[sflag:s30] =	ssyncset.done $0x0  }
0xe8: {  	[sflag:s30] =	ssyncadd.s32 $0xFFFE7900  }
0xe9: {  	_ =	swait.ge [sflag:s31], $0x1000  }
0xea: {  	[sflag:s31] =	ssyncset.done $0x0  }
0xeb: {  	s8 =	simm.s32 $0x18740;
	[sflag:s31] =	ssyncadd.s32 $0xFFFFF000  }
0xec: {  	v1 =	vld [tilespmem:s8+$0x30]  }
0xed: {  	v2 =	vld [tilespmem:s8+$0xFFFFFFD0]  }
0xee: {  	v3 =	vld [tilespmem:s8+$0xFFFFFFE0]  }
0xef: {  	v4 =	vld [tilespmem:s8+$0xFFFFFFF0]  }
0xf0: {  	v5 =	vld [tilespmem:s8+$0x0]  }
0xf1: {  	v6 =	vld [tilespmem:s8+$0x10]  }
0xf2: {  	v7 =	vld [tilespmem:s8+$0x20]  }
0xf3: {  	v8 =	vld [tilespmem:s8+$0xFFFFFFC0]  }
0xf4: {  	v1 =	vld.idx.msk [tilespmem:v1+s4+$0x0], $0xffff  }
0xf5: {  	v2 =	vld.idx.msk [tilespmem:v2+s4+$0x0], $0xffff  }
0xf6: {  	v3 =	vld.idx.msk [tilespmem:v3+s4+$0x0], $0xffff  }
0xf7: {  	v4 =	vld.idx.msk [tilespmem:v4+s4+$0x0], $0xffff  }
0xf8: {  	v5 =	vld.idx.msk [tilespmem:v5+s4+$0x0], $0xffff  }
0xf9: {  	v6 =	vld.idx.msk [tilespmem:v6+s4+$0x0], $0xffff  }
0xfa: {  	s8 =	simm.s32 $0x1A770;
	v7 =	vld.idx.msk [tilespmem:v7+s4+$0x0], $0xffff  }
0xfb: {  	[tilespmem:s8+$0x0] =	vst.add.f32.msk $0xffff, v1  }
0xfc: {  	v1 =	vld.idx.msk [tilespmem:v8+s4+$0x0], $0xffff  }
0xfd: {  	[tilespmem:s8+$0xFFFFFFA0] =	vst.add.f32.msk $0xffff, v2  }
0xfe: {  	[tilespmem:s8+$0xFFFFFFB0] =	vst.add.f32.msk $0xffff, v3  }
0xff: {  	[tilespmem:s8+$0xFFFFFFC0] =	vst.add.f32.msk $0xffff, v4  }
0x100: {  	[tilespmem:s8+$0xFFFFFFD0] =	vst.add.f32.msk $0xffff, v5  }
0x101: {  	[tilespmem:s8+$0xFFFFFFE0] =	vst.add.f32.msk $0xffff, v6  }
0x102: {  	[tilespmem:s8+$0xFFFFFFF0] =	vst.add.f32.msk $0xffff, v7  }
0x103: {  	s9 =	simm.s32 $0x0;
	s10 =	simm.s32 $0x18840;
	[tilespmem:s8+$0xFFFFFF90] =	vst.add.f32.msk $0xffff, v1  }
.LBB2_5:
0x104: {  	v1 =	vld [tilespmem:s10+$0x30];
	s9 =	sadd.s32 $0x80, s9  }
0x105: {  	v2 =	vld [tilespmem:s10+$0xFFFFFFD0];
	p1 =	slt.u32 s9, $0xF80  }
0x106: {  	v3 =	vld [tilespmem:s10+$0xFFFFFFE0]  }
0x107: {  	v4 =	vld [tilespmem:s10+$0xFFFFFFF0]  }
0x108: {  	v5 =	vld [tilespmem:s10+$0x0]  }
0x109: {  	v6 =	vld [tilespmem:s10+$0x10]  }
0x10a: {  	v7 =	vld [tilespmem:s10+$0x20]  }
0x10b: {  	v8 =	vld [tilespmem:s10+$0xFFFFFFC0]  }
0x10c: {  	v1 =	vld.idx.msk [tilespmem:v1+s4+$0x0], $0xffff  }
0x10d: {  	v2 =	vld.idx.msk [tilespmem:v2+s4+$0x0], $0xffff  }
0x10e: {  	v3 =	vld.idx.msk [tilespmem:v3+s4+$0x0], $0xffff  }
0x10f: {  	v4 =	vld.idx.msk [tilespmem:v4+s4+$0x0], $0xffff  }
0x110: {  	v5 =	vld.idx.msk [tilespmem:v5+s4+$0x0], $0xffff  }
0x111: {  	s8 =	sadd.s32 $0x80, s8;
	v6 =	vld.idx.msk [tilespmem:v6+s4+$0x0], $0xffff  }
0x112: {  	[tilespmem:s8+$0x0] =	vst.add.f32.msk $0xffff, v1  }
0x113: {  	v1 =	vld.idx.msk [tilespmem:v8+s4+$0x0], $0xffff  }
0x114: {  	v7 =	vld.idx.msk [tilespmem:v7+s4+$0x0], $0xffff  }
0x115: {  	[tilespmem:s8+$0xFFFFFFA0] =	vst.add.f32.msk $0xffff, v2  }
0x116: {  	[tilespmem:s8+$0xFFFFFFB0] =	vst.add.f32.msk $0xffff, v3  }
.Ltmp3:
0x117: {  	[tilespmem:s8+$0xFFFFFFC0] =	vst.add.f32.msk $0xffff, v4;
	(pc) =	sbr.rel @p1 .LBB2_5-.Ltmp3, $4  }
0x118: {  	[tilespmem:s8+$0xFFFFFFD0] =	vst.add.f32.msk $0xffff, v5  }
0x119: {  	[tilespmem:s8+$0xFFFFFF90] =	vst.add.f32.msk $0xffff, v1  }
0x11a: {  	[tilespmem:s8+$0xFFFFFFE0] =	vst.add.f32.msk $0xffff, v6  }
0x11b: {  	s10 =	sadd.s32 $0x100, s10;
	[tilespmem:s8+$0xFFFFFFF0] =	vst.add.f32.msk $0xffff, v7  }
0x11c: {  	s9 =	sshll.u32 s7, $0x7  }
0x11d: {  	s8 =	sand.u32 $0x180, s9  }
0x11e: {  	s8 =	sadd.s32 s8, s3  }
0x11f: {  	s11 =	simm.s32 $0x18700;
	s10 =	sadd.s32 $0x8000, s8  }
0x120: {  	[tilespmem:s11], [sflag:$0x2] =	stream.linear.gather [spmem:s10], $0x80, $0x38;
	[tilespmem:$0x1F700] =	vst v63  }
0x121: {  	s12 =	simm.s32 $0x18800;
	s11 =	sadd.s32 $0x8200, s8  }
0x122: {  	[tilespmem:s12], [sflag:$0x2] =	stream.linear.gather [spmem:s11], $0x80, $0x38;
	[tilespmem:$0x1F700] =	vst v63  }
0x123: {  	s14 =	simm.s32 $0x18900;
	s13 =	sadd.s32 $0x8400, s8  }
0x124: {  	[tilespmem:s14], [sflag:$0x2] =	stream.linear.gather [spmem:s13], $0x80, $0x38;
	[tilespmem:$0x1F700] =	vst v63  }
0x125: {  	s11 =	sadd.s32 $0x8600, s8;
	s12 =	simm.s32 $0x18A00  }
0x126: {  	[tilespmem:s12], [sflag:$0x2] =	stream.linear.gather [spmem:s11], $0x80, $0x38;
	[tilespmem:$0x1F700] =	vst v63  }
0x127: {  	s13 =	sadd.s32 $0x8800, s8;
	s14 =	simm.s32 $0x18B00  }
0x128: {  	[tilespmem:s14], [sflag:$0x2] =	stream.linear.gather [spmem:s13], $0x80, $0x38;
	[tilespmem:$0x1F700] =	vst v63  }
0x129: {  	s11 =	sadd.s32 $0x8A00, s8;
	s12 =	simm.s32 $0x18C00  }
0x12a: {  	[tilespmem:s12], [sflag:$0x2] =	stream.linear.gather [spmem:s11], $0x80, $0x38;
	[tilespmem:$0x1F700] =	vst v63  }
0x12b: {  	s13 =	sadd.s32 $0x8C00, s8;
	s14 =	simm.s32 $0x18D00  }
0x12c: {  	[tilespmem:s14], [sflag:$0x2] =	stream.linear.gather [spmem:s13], $0x80, $0x38;
	[tilespmem:$0x1F700] =	vst v63  }
0x12d: {  	s11 =	sadd.s32 $0x8E00, s8;
	s12 =	simm.s32 $0x18E00  }
0x12e: {  	[tilespmem:s12], [sflag:$0x2] =	stream.linear.gather [spmem:s11], $0x80, $0x38;
	[tilespmem:$0x1F700] =	vst v63  }
0x12f: {  	s13 =	sadd.s32 $0x9000, s8;
	s14 =	simm.s32 $0x18F00  }
0x130: {  	[tilespmem:s14], [sflag:$0x2] =	stream.linear.gather [spmem:s13], $0x80, $0x38;
	[tilespmem:$0x1F700] =	vst v63  }
0x131: {  	s11 =	sadd.s32 $0x9200, s8;
	s12 =	simm.s32 $0x19000  }
0x132: {  	[tilespmem:s12], [sflag:$0x2] =	stream.linear.gather [spmem:s11], $0x80, $0x38;
	[tilespmem:$0x1F700] =	vst v63  }
0x133: {  	s13 =	sadd.s32 $0x9400, s8;
	s14 =	simm.s32 $0x19100  }
0x134: {  	[tilespmem:s14], [sflag:$0x2] =	stream.linear.gather [spmem:s13], $0x80, $0x38;
	[tilespmem:$0x1F700] =	vst v63  }
0x135: {  	s11 =	sadd.s32 $0x9600, s8;
	s12 =	simm.s32 $0x19200  }
0x136: {  	[tilespmem:s12], [sflag:$0x2] =	stream.linear.gather [spmem:s11], $0x80, $0x38;
	[tilespmem:$0x1F700] =	vst v63  }
0x137: {  	s13 =	sadd.s32 $0x9800, s8;
	s14 =	simm.s32 $0x19300  }
0x138: {  	[tilespmem:s14], [sflag:$0x2] =	stream.linear.gather [spmem:s13], $0x80, $0x38;
	[tilespmem:$0x1F700] =	vst v63  }
0x139: {  	s11 =	sadd.s32 $0x9A00, s8;
	s12 =	simm.s32 $0x19400  }
0x13a: {  	[tilespmem:s12], [sflag:$0x2] =	stream.linear.gather [spmem:s11], $0x80, $0x38;
	[tilespmem:$0x1F700] =	vst v63  }
0x13b: {  	s13 =	sadd.s32 $0x9C00, s8;
	s14 =	simm.s32 $0x19500  }
0x13c: {  	[tilespmem:s14], [sflag:$0x2] =	stream.linear.gather [spmem:s13], $0x80, $0x38;
	[tilespmem:$0x1F700] =	vst v63  }
0x13d: {  	s11 =	sadd.s32 $0x9E00, s8;
	s12 =	simm.s32 $0x19600  }
0x13e: {  	[tilespmem:s12], [sflag:$0x2] =	stream.linear.gather [spmem:s11], $0x80, $0x38;
	[tilespmem:$0x1F700] =	vst v63  }
0x13f: {  	s13 =	sadd.s32 $0xA000, s8;
	s14 =	simm.s32 $0x19700  }
0x140: {  	[tilespmem:s14], [sflag:$0x2] =	stream.linear.gather [spmem:s13], $0x80, $0x38;
	[tilespmem:$0x1F700] =	vst v63  }
0x141: {  	s11 =	sadd.s32 $0xA200, s8;
	s12 =	simm.s32 $0x19800  }
0x142: {  	[tilespmem:s12], [sflag:$0x2] =	stream.linear.gather [spmem:s11], $0x80, $0x38;
	[tilespmem:$0x1F700] =	vst v63  }
0x143: {  	s13 =	sadd.s32 $0xA400, s8;
	s14 =	simm.s32 $0x19900  }
0x144: {  	[tilespmem:s14], [sflag:$0x2] =	stream.linear.gather [spmem:s13], $0x80, $0x38;
	[tilespmem:$0x1F700] =	vst v63  }
0x145: {  	s11 =	sadd.s32 $0xA600, s8;
	s12 =	simm.s32 $0x19A00  }
0x146: {  	[tilespmem:s12], [sflag:$0x2] =	stream.linear.gather [spmem:s11], $0x80, $0x38;
	[tilespmem:$0x1F700] =	vst v63  }
0x147: {  	s13 =	sadd.s32 $0xA800, s8;
	s14 =	simm.s32 $0x19B00  }
0x148: {  	[tilespmem:s14], [sflag:$0x2] =	stream.linear.gather [spmem:s13], $0x80, $0x38;
	[tilespmem:$0x1F700] =	vst v63  }
0x149: {  	s11 =	sadd.s32 $0xAA00, s8;
	s12 =	simm.s32 $0x19C00  }
0x14a: {  	[tilespmem:s12], [sflag:$0x2] =	stream.linear.gather [spmem:s11], $0x80, $0x38;
	[tilespmem:$0x1F700] =	vst v63  }
0x14b: {  	s13 =	sadd.s32 $0xAC00, s8;
	s14 =	simm.s32 $0x19D00  }
0x14c: {  	[tilespmem:s14], [sflag:$0x2] =	stream.linear.gather [spmem:s13], $0x80, $0x38;
	[tilespmem:$0x1F700] =	vst v63  }
0x14d: {  	s11 =	sadd.s32 $0xAE00, s8;
	s12 =	simm.s32 $0x19E00  }
0x14e: {  	[tilespmem:s12], [sflag:$0x2] =	stream.linear.gather [spmem:s11], $0x80, $0x38;
	[tilespmem:$0x1F700] =	vst v63  }
0x14f: {  	s13 =	sadd.s32 $0xB000, s8;
	s14 =	simm.s32 $0x19F00  }
0x150: {  	[tilespmem:s14], [sflag:$0x2] =	stream.linear.gather [spmem:s13], $0x80, $0x38;
	[tilespmem:$0x1F700] =	vst v63  }
0x151: {  	s11 =	sadd.s32 $0xB200, s8;
	s12 =	simm.s32 $0x1A000  }
0x152: {  	[tilespmem:s12], [sflag:$0x2] =	stream.linear.gather [spmem:s11], $0x80, $0x38;
	[tilespmem:$0x1F700] =	vst v63  }
0x153: {  	s13 =	sadd.s32 $0xB400, s8;
	s14 =	simm.s32 $0x1A100  }
0x154: {  	[tilespmem:s14], [sflag:$0x2] =	stream.linear.gather [spmem:s13], $0x80, $0x38;
	[tilespmem:$0x1F700] =	vst v63  }
0x155: {  	s11 =	sadd.s32 $0xB600, s8;
	s12 =	simm.s32 $0x1A200  }
0x156: {  	[tilespmem:s12], [sflag:$0x2] =	stream.linear.gather [spmem:s11], $0x80, $0x38;
	[tilespmem:$0x1F700] =	vst v63  }
0x157: {  	s13 =	sadd.s32 $0xB800, s8;
	s14 =	simm.s32 $0x1A300  }
0x158: {  	[tilespmem:s14], [sflag:$0x2] =	stream.linear.gather [spmem:s13], $0x80, $0x38;
	[tilespmem:$0x1F700] =	vst v63  }
0x159: {  	s11 =	sadd.s32 $0xBA00, s8;
	s12 =	simm.s32 $0x1A400  }
0x15a: {  	[tilespmem:s12], [sflag:$0x2] =	stream.linear.gather [spmem:s11], $0x80, $0x38;
	[tilespmem:$0x1F700] =	vst v63  }
0x15b: {  	s13 =	sadd.s32 $0xBC00, s8;
	s14 =	simm.s32 $0x1A500  }
0x15c: {  	[tilespmem:s14], [sflag:$0x2] =	stream.linear.gather [spmem:s13], $0x80, $0x38;
	[tilespmem:$0x1F700] =	vst v63  }
0x15d: {  	s12 =	sadd.s32 $0xBE00, s8;
	s13 =	simm.s32 $0x1A600  }
0x15e: {  	[tilespmem:s13], [sflag:$0x2] =	stream.linear.gather [spmem:s12], $0x80, $0x38;
	[tilespmem:$0x1F700] =	vst v63  }
0x15f: {  	_ =	swait.ge [sflag:s0], $0x1000  }
0x160: {  	[sflag:s0] =	ssyncset.done $0x0  }
0x161: {  	s14 =	simm.s32 $0x187F0;
	[sflag:s0] =	ssyncadd.s32 $0xFFFFF000  }
0x162: {  	v1 =	vld [tilespmem:s14+$0x0]  }
0x163: {  	v2 =	vld [tilespmem:s14+$0xFFFFFFA0]  }
0x164: {  	v3 =	vld [tilespmem:s14+$0xFFFFFFB0]  }
0x165: {  	v4 =	vld [tilespmem:s14+$0xFFFFFFC0]  }
0x166: {  	v5 =	vld [tilespmem:s14+$0xFFFFFFD0]  }
0x167: {  	v6 =	vld [tilespmem:s14+$0xFFFFFFE0]  }
0x168: {  	v7 =	vld [tilespmem:s14+$0xFFFFFFF0]  }
0x169: {  	v8 =	vld [tilespmem:s14+$0xFFFFFF90]  }
0x16a: {  	v1 =	vld.idx.msk [tilespmem:v1+s4+$0x0], $0xffff  }
0x16b: {  	v2 =	vld.idx.msk [tilespmem:v2+s4+$0x0], $0xffff  }
0x16c: {  	v3 =	vld.idx.msk [tilespmem:v3+s4+$0x0], $0xffff  }
0x16d: {  	v4 =	vld.idx.msk [tilespmem:v4+s4+$0x0], $0xffff  }
0x16e: {  	v5 =	vld.idx.msk [tilespmem:v5+s4+$0x0], $0xffff  }
0x16f: {  	v6 =	vld.idx.msk [tilespmem:v6+s4+$0x0], $0xffff  }
0x170: {  	s10 =	simm.s32 $0x1B770;
	v7 =	vld.idx.msk [tilespmem:v7+s4+$0x0], $0xffff  }
0x171: {  	[tilespmem:s10+$0x0] =	vst.add.f32.msk $0xffff, v1  }
0x172: {  	v1 =	vld.idx.msk [tilespmem:v8+s4+$0x0], $0xffff  }
0x173: {  	[tilespmem:s10+$0xFFFFFFA0] =	vst.add.f32.msk $0xffff, v2  }
0x174: {  	[tilespmem:s10+$0xFFFFFFB0] =	vst.add.f32.msk $0xffff, v3  }
0x175: {  	[tilespmem:s10+$0xFFFFFFC0] =	vst.add.f32.msk $0xffff, v4  }
0x176: {  	[tilespmem:s10+$0xFFFFFFD0] =	vst.add.f32.msk $0xffff, v5  }
0x177: {  	[tilespmem:s10+$0xFFFFFFE0] =	vst.add.f32.msk $0xffff, v6  }
0x178: {  	[tilespmem:s10+$0xFFFFFFF0] =	vst.add.f32.msk $0xffff, v7  }
0x179: {  	s11 =	simm.s32 $0x0;
	s12 =	simm.s32 $0x188F0;
	[tilespmem:s10+$0xFFFFFF90] =	vst.add.f32.msk $0xffff, v1  }
.LBB2_7:
0x17a: {  	v1 =	vld [tilespmem:s12+$0x0];
	s11 =	sadd.s32 $0x80, s11  }
0x17b: {  	v2 =	vld [tilespmem:s12+$0xFFFFFFA0];
	p1 =	slt.u32 s11, $0xF80  }
0x17c: {  	v3 =	vld [tilespmem:s12+$0xFFFFFFB0]  }
0x17d: {  	v4 =	vld [tilespmem:s12+$0xFFFFFFC0]  }
0x17e: {  	v5 =	vld [tilespmem:s12+$0xFFFFFFD0]  }
0x17f: {  	v6 =	vld [tilespmem:s12+$0xFFFFFFE0]  }
0x180: {  	v7 =	vld [tilespmem:s12+$0xFFFFFFF0]  }
0x181: {  	v8 =	vld [tilespmem:s12+$0xFFFFFF90]  }
0x182: {  	v1 =	vld.idx.msk [tilespmem:v1+s4+$0x0], $0xffff  }
0x183: {  	v2 =	vld.idx.msk [tilespmem:v2+s4+$0x0], $0xffff  }
0x184: {  	v3 =	vld.idx.msk [tilespmem:v3+s4+$0x0], $0xffff  }
0x185: {  	v4 =	vld.idx.msk [tilespmem:v4+s4+$0x0], $0xffff  }
0x186: {  	v5 =	vld.idx.msk [tilespmem:v5+s4+$0x0], $0xffff  }
0x187: {  	s10 =	sadd.s32 $0x80, s10;
	v6 =	vld.idx.msk [tilespmem:v6+s4+$0x0], $0xffff  }
0x188: {  	[tilespmem:s10+$0x0] =	vst.add.f32.msk $0xffff, v1  }
0x189: {  	v1 =	vld.idx.msk [tilespmem:v8+s4+$0x0], $0xffff  }
0x18a: {  	v7 =	vld.idx.msk [tilespmem:v7+s4+$0x0], $0xffff  }
0x18b: {  	[tilespmem:s10+$0xFFFFFFA0] =	vst.add.f32.msk $0xffff, v2  }
0x18c: {  	[tilespmem:s10+$0xFFFFFFB0] =	vst.add.f32.msk $0xffff, v3  }
.Ltmp4:
0x18d: {  	[tilespmem:s10+$0xFFFFFFC0] =	vst.add.f32.msk $0xffff, v4;
	(pc) =	sbr.rel @p1 .LBB2_7-.Ltmp4, $4  }
0x18e: {  	[tilespmem:s10+$0xFFFFFFD0] =	vst.add.f32.msk $0xffff, v5  }
0x18f: {  	[tilespmem:s10+$0xFFFFFF90] =	vst.add.f32.msk $0xffff, v1  }
0x190: {  	[tilespmem:s10+$0xFFFFFFE0] =	vst.add.f32.msk $0xffff, v6  }
0x191: {  	s12 =	sadd.s32 $0x100, s12;
	[tilespmem:s10+$0xFFFFFFF0] =	vst.add.f32.msk $0xffff, v7  }
0x192: {  	s10 =	sadd.s32 $0xC000, s8;
	s11 =	simm.s32 $0x18780  }
0x193: {  	[tilespmem:s11], [sflag:$0x3] =	stream.linear.gather [spmem:s10], $0x80, $0x38;
	[tilespmem:$0x1F700] =	vst v63  }
0x194: {  	s13 =	sadd.s32 $0xC200, s8;
	s14 =	simm.s32 $0x18880  }
0x195: {  	[tilespmem:s14], [sflag:$0x3] =	stream.linear.gather [spmem:s13], $0x80, $0x38;
	[tilespmem:$0x1F700] =	vst v63  }
0x196: {  	s12 =	simm.s32 $0x18980;
	s11 =	sadd.s32 $0xC400, s8  }
0x197: {  	[tilespmem:s12], [sflag:$0x3] =	stream.linear.gather [spmem:s11], $0x80, $0x38;
	[tilespmem:$0x1F700] =	vst v63  }
0x198: {  	s13 =	sadd.s32 $0xC600, s8;
	s14 =	simm.s32 $0x18A80  }
0x199: {  	[tilespmem:s14], [sflag:$0x3] =	stream.linear.gather [spmem:s13], $0x80, $0x38;
	[tilespmem:$0x1F700] =	vst v63  }
0x19a: {  	s11 =	sadd.s32 $0xC800, s8;
	s12 =	simm.s32 $0x18B80  }
0x19b: {  	[tilespmem:s12], [sflag:$0x3] =	stream.linear.gather [spmem:s11], $0x80, $0x38;
	[tilespmem:$0x1F700] =	vst v63  }
0x19c: {  	s13 =	sadd.s32 $0xCA00, s8;
	s14 =	simm.s32 $0x18C80  }
0x19d: {  	[tilespmem:s14], [sflag:$0x3] =	stream.linear.gather [spmem:s13], $0x80, $0x38;
	[tilespmem:$0x1F700] =	vst v63  }
0x19e: {  	s11 =	sadd.s32 $0xCC00, s8;
	s12 =	simm.s32 $0x18D80  }
0x19f: {  	[tilespmem:s12], [sflag:$0x3] =	stream.linear.gather [spmem:s11], $0x80, $0x38;
	[tilespmem:$0x1F700] =	vst v63  }
0x1a0: {  	s13 =	sadd.s32 $0xCE00, s8;
	s14 =	simm.s32 $0x18E80  }
0x1a1: {  	[tilespmem:s14], [sflag:$0x3] =	stream.linear.gather [spmem:s13], $0x80, $0x38;
	[tilespmem:$0x1F700] =	vst v63  }
0x1a2: {  	s11 =	sadd.s32 $0xD000, s8;
	s12 =	simm.s32 $0x18F80  }
0x1a3: {  	[tilespmem:s12], [sflag:$0x3] =	stream.linear.gather [spmem:s11], $0x80, $0x38;
	[tilespmem:$0x1F700] =	vst v63  }
0x1a4: {  	s13 =	sadd.s32 $0xD200, s8;
	s14 =	simm.s32 $0x19080  }
0x1a5: {  	[tilespmem:s14], [sflag:$0x3] =	stream.linear.gather [spmem:s13], $0x80, $0x38;
	[tilespmem:$0x1F700] =	vst v63  }
0x1a6: {  	s11 =	sadd.s32 $0xD400, s8;
	s12 =	simm.s32 $0x19180  }
0x1a7: {  	[tilespmem:s12], [sflag:$0x3] =	stream.linear.gather [spmem:s11], $0x80, $0x38;
	[tilespmem:$0x1F700] =	vst v63  }
0x1a8: {  	s13 =	sadd.s32 $0xD600, s8;
	s14 =	simm.s32 $0x19280  }
0x1a9: {  	[tilespmem:s14], [sflag:$0x3] =	stream.linear.gather [spmem:s13], $0x80, $0x38;
	[tilespmem:$0x1F700] =	vst v63  }
0x1aa: {  	s11 =	sadd.s32 $0xD800, s8;
	s12 =	simm.s32 $0x19380  }
0x1ab: {  	[tilespmem:s12], [sflag:$0x3] =	stream.linear.gather [spmem:s11], $0x80, $0x38;
	[tilespmem:$0x1F700] =	vst v63  }
0x1ac: {  	s13 =	sadd.s32 $0xDA00, s8;
	s14 =	simm.s32 $0x19480  }
0x1ad: {  	[tilespmem:s14], [sflag:$0x3] =	stream.linear.gather [spmem:s13], $0x80, $0x38;
	[tilespmem:$0x1F700] =	vst v63  }
0x1ae: {  	s12 =	sadd.s32 $0xDC00, s8  }
0x1af: {  	[tilespmem:s15], [sflag:$0x3] =	stream.linear.gather [spmem:s12], $0x80, $0x38;
	[tilespmem:$0x1F700] =	vst v63  }
0x1b0: {  	s13 =	sadd.s32 $0xDE00, s8  }
0x1b1: {  	[tilespmem:s16], [sflag:$0x3] =	stream.linear.gather [spmem:s13], $0x80, $0x38;
	[tilespmem:$0x1F700] =	vst v63  }
0x1b2: {  	s14 =	sadd.s32 $0xE000, s8  }
0x1b3: {  	[tilespmem:s17], [sflag:$0x3] =	stream.linear.gather [spmem:s14], $0x80, $0x38;
	[tilespmem:$0x1F700] =	vst v63  }
0x1b4: {  	s11 =	sadd.s32 $0xE200, s8  }
0x1b5: {  	[tilespmem:s18], [sflag:$0x3] =	stream.linear.gather [spmem:s11], $0x80, $0x38;
	[tilespmem:$0x1F700] =	vst v63  }
0x1b6: {  	s12 =	sadd.s32 $0xE400, s8  }
0x1b7: {  	[tilespmem:s19], [sflag:$0x3] =	stream.linear.gather [spmem:s12], $0x80, $0x38;
	[tilespmem:$0x1F700] =	vst v63  }
0x1b8: {  	s13 =	sadd.s32 $0xE600, s8  }
0x1b9: {  	[tilespmem:s20], [sflag:$0x3] =	stream.linear.gather [spmem:s13], $0x80, $0x38;
	[tilespmem:$0x1F700] =	vst v63  }
0x1ba: {  	s14 =	sadd.s32 $0xE800, s8  }
0x1bb: {  	[tilespmem:s21], [sflag:$0x3] =	stream.linear.gather [spmem:s14], $0x80, $0x38;
	[tilespmem:$0x1F700] =	vst v63  }
0x1bc: {  	s11 =	sadd.s32 $0xEA00, s8  }
0x1bd: {  	[tilespmem:s6], [sflag:$0x3] =	stream.linear.gather [spmem:s11], $0x80, $0x38;
	[tilespmem:$0x1F700] =	vst v63  }
0x1be: {  	s12 =	sadd.s32 $0xEC00, s8  }
0x1bf: {  	[tilespmem:s2], [sflag:$0x3] =	stream.linear.gather [spmem:s12], $0x80, $0x38;
	[tilespmem:$0x1F700] =	vst v63  }
0x1c0: {  	s13 =	sadd.s32 $0xEE00, s8  }
0x1c1: {  	[tilespmem:s1], [sflag:$0x3] =	stream.linear.gather [spmem:s13], $0x80, $0x38;
	[tilespmem:$0x1F700] =	vst v63  }
0x1c2: {  	s14 =	sadd.s32 $0xF000, s8  }
0x1c3: {  	[tilespmem:s22], [sflag:$0x3] =	stream.linear.gather [spmem:s14], $0x80, $0x38;
	[tilespmem:$0x1F700] =	vst v63  }
0x1c4: {  	s11 =	sadd.s32 $0xF200, s8  }
0x1c5: {  	[tilespmem:s23], [sflag:$0x3] =	stream.linear.gather [spmem:s11], $0x80, $0x38;
	[tilespmem:$0x1F700] =	vst v63  }
0x1c6: {  	s12 =	sadd.s32 $0xF400, s8  }
0x1c7: {  	[tilespmem:s24], [sflag:$0x3] =	stream.linear.gather [spmem:s12], $0x80, $0x38;
	[tilespmem:$0x1F700] =	vst v63  }
0x1c8: {  	s13 =	sadd.s32 $0xF600, s8  }
0x1c9: {  	[tilespmem:s25], [sflag:$0x3] =	stream.linear.gather [spmem:s13], $0x80, $0x38;
	[tilespmem:$0x1F700] =	vst v63  }
0x1ca: {  	s14 =	sadd.s32 $0xF800, s8  }
0x1cb: {  	[tilespmem:s5], [sflag:$0x3] =	stream.linear.gather [spmem:s14], $0x80, $0x38;
	[tilespmem:$0x1F700] =	vst v63  }
0x1cc: {  	s11 =	sadd.s32 $0xFA00, s8  }
0x1cd: {  	[tilespmem:s26], [sflag:$0x3] =	stream.linear.gather [spmem:s11], $0x80, $0x38;
	[tilespmem:$0x1F700] =	vst v63  }
0x1ce: {  	s12 =	sadd.s32 $0xFC00, s8  }
0x1cf: {  	[tilespmem:s28], [sflag:$0x3] =	stream.linear.gather [spmem:s12], $0x80, $0x38;
	[tilespmem:$0x1F700] =	vst v63  }
0x1d0: {  	s13 =	sadd.s32 $0xFE00, s8  }
0x1d1: {  	[tilespmem:s29], [sflag:$0x3] =	stream.linear.gather [spmem:s13], $0x80, $0x38;
	[tilespmem:$0x1F700] =	vst v63  }
0x1d2: {  	_ =	swait.ge [sflag:s31], $0x1000  }
0x1d3: {  	[sflag:s31] =	ssyncset.done $0x0  }
0x1d4: {  	s14 =	simm.s32 $0x18740;
	[sflag:s31] =	ssyncadd.s32 $0xFFFFF000  }
0x1d5: {  	v1 =	vld [tilespmem:s14+$0x30]  }
0x1d6: {  	v2 =	vld [tilespmem:s14+$0xFFFFFFD0]  }
0x1d7: {  	v3 =	vld [tilespmem:s14+$0xFFFFFFE0]  }
0x1d8: {  	v4 =	vld [tilespmem:s14+$0xFFFFFFF0]  }
0x1d9: {  	v5 =	vld [tilespmem:s14+$0x0]  }
0x1da: {  	v6 =	vld [tilespmem:s14+$0x10]  }
0x1db: {  	v7 =	vld [tilespmem:s14+$0x20]  }
0x1dc: {  	v8 =	vld [tilespmem:s14+$0xFFFFFFC0]  }
0x1dd: {  	v1 =	vld.idx.msk [tilespmem:v1+s4+$0x0], $0xffff  }
0x1de: {  	v2 =	vld.idx.msk [tilespmem:v2+s4+$0x0], $0xffff  }
0x1df: {  	v3 =	vld.idx.msk [tilespmem:v3+s4+$0x0], $0xffff  }
0x1e0: {  	v4 =	vld.idx.msk [tilespmem:v4+s4+$0x0], $0xffff  }
0x1e1: {  	v5 =	vld.idx.msk [tilespmem:v5+s4+$0x0], $0xffff  }
0x1e2: {  	v6 =	vld.idx.msk [tilespmem:v6+s4+$0x0], $0xffff  }
0x1e3: {  	s10 =	simm.s32 $0x1C770;
	v7 =	vld.idx.msk [tilespmem:v7+s4+$0x0], $0xffff  }
0x1e4: {  	[tilespmem:s10+$0x0] =	vst.add.f32.msk $0xffff, v1  }
0x1e5: {  	v1 =	vld.idx.msk [tilespmem:v8+s4+$0x0], $0xffff  }
0x1e6: {  	[tilespmem:s10+$0xFFFFFFA0] =	vst.add.f32.msk $0xffff, v2  }
0x1e7: {  	[tilespmem:s10+$0xFFFFFFB0] =	vst.add.f32.msk $0xffff, v3  }
0x1e8: {  	[tilespmem:s10+$0xFFFFFFC0] =	vst.add.f32.msk $0xffff, v4  }
0x1e9: {  	[tilespmem:s10+$0xFFFFFFD0] =	vst.add.f32.msk $0xffff, v5  }
0x1ea: {  	[tilespmem:s10+$0xFFFFFFE0] =	vst.add.f32.msk $0xffff, v6  }
0x1eb: {  	[tilespmem:s10+$0xFFFFFFF0] =	vst.add.f32.msk $0xffff, v7  }
0x1ec: {  	s11 =	simm.s32 $0x0;
	s12 =	simm.s32 $0x18840;
	[tilespmem:s10+$0xFFFFFF90] =	vst.add.f32.msk $0xffff, v1  }
.LBB2_9:
0x1ed: {  	v1 =	vld [tilespmem:s12+$0x30];
	s11 =	sadd.s32 $0x80, s11  }
0x1ee: {  	v2 =	vld [tilespmem:s12+$0xFFFFFFD0];
	p1 =	slt.u32 s11, $0xF80  }
0x1ef: {  	v3 =	vld [tilespmem:s12+$0xFFFFFFE0]  }
0x1f0: {  	v4 =	vld [tilespmem:s12+$0xFFFFFFF0]  }
0x1f1: {  	v5 =	vld [tilespmem:s12+$0x0]  }
0x1f2: {  	v6 =	vld [tilespmem:s12+$0x10]  }
0x1f3: {  	v7 =	vld [tilespmem:s12+$0x20]  }
0x1f4: {  	v8 =	vld [tilespmem:s12+$0xFFFFFFC0]  }
0x1f5: {  	v1 =	vld.idx.msk [tilespmem:v1+s4+$0x0], $0xffff  }
0x1f6: {  	v2 =	vld.idx.msk [tilespmem:v2+s4+$0x0], $0xffff  }
0x1f7: {  	v3 =	vld.idx.msk [tilespmem:v3+s4+$0x0], $0xffff  }
0x1f8: {  	v4 =	vld.idx.msk [tilespmem:v4+s4+$0x0], $0xffff  }
0x1f9: {  	v5 =	vld.idx.msk [tilespmem:v5+s4+$0x0], $0xffff  }
0x1fa: {  	s10 =	sadd.s32 $0x80, s10;
	v6 =	vld.idx.msk [tilespmem:v6+s4+$0x0], $0xffff  }
0x1fb: {  	[tilespmem:s10+$0x0] =	vst.add.f32.msk $0xffff, v1  }
0x1fc: {  	v1 =	vld.idx.msk [tilespmem:v8+s4+$0x0], $0xffff  }
0x1fd: {  	v7 =	vld.idx.msk [tilespmem:v7+s4+$0x0], $0xffff  }
0x1fe: {  	[tilespmem:s10+$0xFFFFFFA0] =	vst.add.f32.msk $0xffff, v2  }
0x1ff: {  	[tilespmem:s10+$0xFFFFFFB0] =	vst.add.f32.msk $0xffff, v3  }
.Ltmp5:
0x200: {  	[tilespmem:s10+$0xFFFFFFC0] =	vst.add.f32.msk $0xffff, v4;
	(pc) =	sbr.rel @p1 .LBB2_9-.Ltmp5, $4  }
0x201: {  	[tilespmem:s10+$0xFFFFFFD0] =	vst.add.f32.msk $0xffff, v5  }
0x202: {  	[tilespmem:s10+$0xFFFFFF90] =	vst.add.f32.msk $0xffff, v1  }
0x203: {  	[tilespmem:s10+$0xFFFFFFE0] =	vst.add.f32.msk $0xffff, v6  }
0x204: {  	s12 =	sadd.s32 $0x100, s12;
	[tilespmem:s10+$0xFFFFFFF0] =	vst.add.f32.msk $0xffff, v7  }
0x205: {  	p1 =	seq.s32 s7, $0x19  }
.Ltmp6:
0x206: {  	_ = 	snop;
	(pc) =	sbr.rel @p1 .LBB2_12-.Ltmp6, $1  }
0x207: {  	_ =	sdelay $0x3  }
0x208: {  	s10 =	sadd.s32 $0x80, s9  }
0x209: {  	s10 =	sand.u32 $0x180, s10  }
0x20a: {  	s11 =	simm.s32 $0x18700;
	s10 =	sadd.s32 s10, s3  }
0x20b: {  	[tilespmem:s11], [sflag:$0x2] =	stream.linear.gather [spmem:s10], $0x80, $0x38;
	[tilespmem:$0x1F700] =	vst v63  }
0x20c: {  	s12 =	simm.s32 $0x18800;
	s14 =	sadd.s32 $0x200, s10  }
0x20d: {  	[tilespmem:s12], [sflag:$0x2] =	stream.linear.gather [spmem:s14], $0x80, $0x38;
	[tilespmem:$0x1F700] =	vst v63  }
0x20e: {  	s13 =	sadd.s32 $0x400, s10;
	s14 =	simm.s32 $0x18900  }
0x20f: {  	[tilespmem:s14], [sflag:$0x2] =	stream.linear.gather [spmem:s13], $0x80, $0x38;
	[tilespmem:$0x1F700] =	vst v63  }
0x210: {  	s13 =	sadd.s32 $0x600, s10;
	s14 =	simm.s32 $0x18A00  }
0x211: {  	[tilespmem:s14], [sflag:$0x2] =	stream.linear.gather [spmem:s13], $0x80, $0x38;
	[tilespmem:$0x1F700] =	vst v63  }
0x212: {  	s13 =	sadd.s32 $0x800, s10;
	s14 =	simm.s32 $0x18B00  }
0x213: {  	[tilespmem:s14], [sflag:$0x2] =	stream.linear.gather [spmem:s13], $0x80, $0x38;
	[tilespmem:$0x1F700] =	vst v63  }
0x214: {  	s13 =	sadd.s32 $0xA00, s10;
	s14 =	simm.s32 $0x18C00  }
0x215: {  	[tilespmem:s14], [sflag:$0x2] =	stream.linear.gather [spmem:s13], $0x80, $0x38;
	[tilespmem:$0x1F700] =	vst v63  }
0x216: {  	s13 =	sadd.s32 $0xC00, s10;
	s14 =	simm.s32 $0x18D00  }
0x217: {  	[tilespmem:s14], [sflag:$0x2] =	stream.linear.gather [spmem:s13], $0x80, $0x38;
	[tilespmem:$0x1F700] =	vst v63  }
0x218: {  	s13 =	sadd.s32 $0xE00, s10;
	s14 =	simm.s32 $0x18E00  }
0x219: {  	[tilespmem:s14], [sflag:$0x2] =	stream.linear.gather [spmem:s13], $0x80, $0x38;
	[tilespmem:$0x1F700] =	vst v63  }
0x21a: {  	s13 =	sadd.s32 $0x1000, s10;
	s14 =	simm.s32 $0x18F00  }
0x21b: {  	[tilespmem:s14], [sflag:$0x2] =	stream.linear.gather [spmem:s13], $0x80, $0x38;
	[tilespmem:$0x1F700] =	vst v63  }
0x21c: {  	s13 =	sadd.s32 $0x1200, s10;
	s14 =	simm.s32 $0x19000  }
0x21d: {  	[tilespmem:s14], [sflag:$0x2] =	stream.linear.gather [spmem:s13], $0x80, $0x38;
	[tilespmem:$0x1F700] =	vst v63  }
0x21e: {  	s13 =	sadd.s32 $0x1400, s10;
	s14 =	simm.s32 $0x19100  }
0x21f: {  	[tilespmem:s14], [sflag:$0x2] =	stream.linear.gather [spmem:s13], $0x80, $0x38;
	[tilespmem:$0x1F700] =	vst v63  }
0x220: {  	s13 =	sadd.s32 $0x1600, s10;
	s14 =	simm.s32 $0x19200  }
0x221: {  	[tilespmem:s14], [sflag:$0x2] =	stream.linear.gather [spmem:s13], $0x80, $0x38;
	[tilespmem:$0x1F700] =	vst v63  }
0x222: {  	s13 =	sadd.s32 $0x1800, s10;
	s14 =	simm.s32 $0x19300  }
0x223: {  	[tilespmem:s14], [sflag:$0x2] =	stream.linear.gather [spmem:s13], $0x80, $0x38;
	[tilespmem:$0x1F700] =	vst v63  }
0x224: {  	s13 =	sadd.s32 $0x1A00, s10;
	s14 =	simm.s32 $0x19400  }
0x225: {  	[tilespmem:s14], [sflag:$0x2] =	stream.linear.gather [spmem:s13], $0x80, $0x38;
	[tilespmem:$0x1F700] =	vst v63  }
0x226: {  	s13 =	sadd.s32 $0x1C00, s10;
	s14 =	simm.s32 $0x19500  }
0x227: {  	[tilespmem:s14], [sflag:$0x2] =	stream.linear.gather [spmem:s13], $0x80, $0x38;
	[tilespmem:$0x1F700] =	vst v63  }
0x228: {  	s13 =	sadd.s32 $0x1E00, s10;
	s14 =	simm.s32 $0x19600  }
0x229: {  	[tilespmem:s14], [sflag:$0x2] =	stream.linear.gather [spmem:s13], $0x80, $0x38;
	[tilespmem:$0x1F700] =	vst v63  }
0x22a: {  	s13 =	sadd.s32 $0x2000, s10;
	s14 =	simm.s32 $0x19700  }
0x22b: {  	[tilespmem:s14], [sflag:$0x2] =	stream.linear.gather [spmem:s13], $0x80, $0x38;
	[tilespmem:$0x1F700] =	vst v63  }
0x22c: {  	s13 =	sadd.s32 $0x2200, s10;
	s14 =	simm.s32 $0x19800  }
0x22d: {  	[tilespmem:s14], [sflag:$0x2] =	stream.linear.gather [spmem:s13], $0x80, $0x38;
	[tilespmem:$0x1F700] =	vst v63  }
0x22e: {  	s13 =	sadd.s32 $0x2400, s10;
	s14 =	simm.s32 $0x19900  }
0x22f: {  	[tilespmem:s14], [sflag:$0x2] =	stream.linear.gather [spmem:s13], $0x80, $0x38;
	[tilespmem:$0x1F700] =	vst v63  }
0x230: {  	s13 =	sadd.s32 $0x2600, s10;
	s14 =	simm.s32 $0x19A00  }
0x231: {  	[tilespmem:s14], [sflag:$0x2] =	stream.linear.gather [spmem:s13], $0x80, $0x38;
	[tilespmem:$0x1F700] =	vst v63  }
0x232: {  	s13 =	sadd.s32 $0x2800, s10;
	s14 =	simm.s32 $0x19B00  }
0x233: {  	[tilespmem:s14], [sflag:$0x2] =	stream.linear.gather [spmem:s13], $0x80, $0x38;
	[tilespmem:$0x1F700] =	vst v63  }
0x234: {  	s13 =	sadd.s32 $0x2A00, s10;
	s14 =	simm.s32 $0x19C00  }
0x235: {  	[tilespmem:s14], [sflag:$0x2] =	stream.linear.gather [spmem:s13], $0x80, $0x38;
	[tilespmem:$0x1F700] =	vst v63  }
0x236: {  	s13 =	sadd.s32 $0x2C00, s10;
	s14 =	simm.s32 $0x19D00  }
0x237: {  	[tilespmem:s14], [sflag:$0x2] =	stream.linear.gather [spmem:s13], $0x80, $0x38;
	[tilespmem:$0x1F700] =	vst v63  }
0x238: {  	s13 =	sadd.s32 $0x2E00, s10;
	s14 =	simm.s32 $0x19E00  }
0x239: {  	[tilespmem:s14], [sflag:$0x2] =	stream.linear.gather [spmem:s13], $0x80, $0x38;
	[tilespmem:$0x1F700] =	vst v63  }
0x23a: {  	s13 =	sadd.s32 $0x3000, s10;
	s14 =	simm.s32 $0x19F00  }
0x23b: {  	[tilespmem:s14], [sflag:$0x2] =	stream.linear.gather [spmem:s13], $0x80, $0x38;
	[tilespmem:$0x1F700] =	vst v63  }
0x23c: {  	s13 =	sadd.s32 $0x3200, s10;
	s14 =	simm.s32 $0x1A000  }
0x23d: {  	[tilespmem:s14], [sflag:$0x2] =	stream.linear.gather [spmem:s13], $0x80, $0x38;
	[tilespmem:$0x1F700] =	vst v63  }
0x23e: {  	s13 =	sadd.s32 $0x3400, s10;
	s14 =	simm.s32 $0x1A100  }
0x23f: {  	[tilespmem:s14], [sflag:$0x2] =	stream.linear.gather [spmem:s13], $0x80, $0x38;
	[tilespmem:$0x1F700] =	vst v63  }
0x240: {  	s13 =	sadd.s32 $0x3600, s10;
	s14 =	simm.s32 $0x1A200  }
0x241: {  	[tilespmem:s14], [sflag:$0x2] =	stream.linear.gather [spmem:s13], $0x80, $0x38;
	[tilespmem:$0x1F700] =	vst v63  }
0x242: {  	s13 =	sadd.s32 $0x3800, s10;
	s14 =	simm.s32 $0x1A300  }
0x243: {  	[tilespmem:s14], [sflag:$0x2] =	stream.linear.gather [spmem:s13], $0x80, $0x38;
	[tilespmem:$0x1F700] =	vst v63  }
0x244: {  	s13 =	sadd.s32 $0x3A00, s10;
	s14 =	simm.s32 $0x1A400  }
0x245: {  	[tilespmem:s14], [sflag:$0x2] =	stream.linear.gather [spmem:s13], $0x80, $0x38;
	[tilespmem:$0x1F700] =	vst v63  }
0x246: {  	s12 =	sadd.s32 $0x3C00, s10;
	s13 =	simm.s32 $0x1A500  }
0x247: {  	[tilespmem:s13], [sflag:$0x2] =	stream.linear.gather [spmem:s12], $0x80, $0x38;
	[tilespmem:$0x1F700] =	vst v63  }
0x248: {  	s10 =	sadd.s32 $0x3E00, s10;
	s14 =	simm.s32 $0x1A600  }
0x249: {  	[tilespmem:s14], [sflag:$0x2] =	stream.linear.gather [spmem:s10], $0x80, $0x38;
	[tilespmem:$0x1F700] =	vst v63  }
.LBB2_12:
0x24a: {  	_ =	swait.ge [sflag:s0], $0x1000  }
0x24b: {  	[sflag:s0] =	ssyncset.done $0x0  }
0x24c: {  	s10 =	simm.s32 $0x187F0;
	[sflag:s0] =	ssyncadd.s32 $0xFFFFF000  }
0x24d: {  	v1 =	vld [tilespmem:s10+$0x0]  }
0x24e: {  	v2 =	vld [tilespmem:s10+$0xFFFFFFA0]  }
0x24f: {  	v3 =	vld [tilespmem:s10+$0xFFFFFFB0]  }
0x250: {  	v4 =	vld [tilespmem:s10+$0xFFFFFFC0]  }
0x251: {  	v5 =	vld [tilespmem:s10+$0xFFFFFFD0]  }
0x252: {  	v6 =	vld [tilespmem:s10+$0xFFFFFFE0]  }
0x253: {  	v7 =	vld [tilespmem:s10+$0xFFFFFFF0]  }
0x254: {  	v8 =	vld [tilespmem:s10+$0xFFFFFF90]  }
0x255: {  	v1 =	vld.idx.msk [tilespmem:v1+s4+$0x0], $0xffff  }
0x256: {  	v2 =	vld.idx.msk [tilespmem:v2+s4+$0x0], $0xffff  }
0x257: {  	v3 =	vld.idx.msk [tilespmem:v3+s4+$0x0], $0xffff  }
0x258: {  	v4 =	vld.idx.msk [tilespmem:v4+s4+$0x0], $0xffff  }
0x259: {  	v5 =	vld.idx.msk [tilespmem:v5+s4+$0x0], $0xffff  }
0x25a: {  	v6 =	vld.idx.msk [tilespmem:v6+s4+$0x0], $0xffff  }
0x25b: {  	s10 =	simm.s32 $0x1D770;
	v7 =	vld.idx.msk [tilespmem:v7+s4+$0x0], $0xffff  }
0x25c: {  	[tilespmem:s10+$0x0] =	vst.add.f32.msk $0xffff, v1  }
0x25d: {  	v1 =	vld.idx.msk [tilespmem:v8+s4+$0x0], $0xffff  }
0x25e: {  	[tilespmem:s10+$0xFFFFFFA0] =	vst.add.f32.msk $0xffff, v2  }
0x25f: {  	[tilespmem:s10+$0xFFFFFFB0] =	vst.add.f32.msk $0xffff, v3  }
0x260: {  	[tilespmem:s10+$0xFFFFFFC0] =	vst.add.f32.msk $0xffff, v4  }
0x261: {  	[tilespmem:s10+$0xFFFFFFD0] =	vst.add.f32.msk $0xffff, v5  }
0x262: {  	[tilespmem:s10+$0xFFFFFFE0] =	vst.add.f32.msk $0xffff, v6  }
0x263: {  	[tilespmem:s10+$0xFFFFFFF0] =	vst.add.f32.msk $0xffff, v7  }
0x264: {  	s11 =	simm.s32 $0x0;
	s12 =	simm.s32 $0x188F0;
	[tilespmem:s10+$0xFFFFFF90] =	vst.add.f32.msk $0xffff, v1  }
.LBB2_13:
0x265: {  	v1 =	vld [tilespmem:s12+$0x0];
	s11 =	sadd.s32 $0x80, s11  }
0x266: {  	v2 =	vld [tilespmem:s12+$0xFFFFFFA0];
	p2 =	slt.u32 s11, $0xF80  }
0x267: {  	v3 =	vld [tilespmem:s12+$0xFFFFFFB0]  }
0x268: {  	v4 =	vld [tilespmem:s12+$0xFFFFFFC0]  }
0x269: {  	v5 =	vld [tilespmem:s12+$0xFFFFFFD0]  }
0x26a: {  	v6 =	vld [tilespmem:s12+$0xFFFFFFE0]  }
0x26b: {  	v7 =	vld [tilespmem:s12+$0xFFFFFFF0]  }
0x26c: {  	v8 =	vld [tilespmem:s12+$0xFFFFFF90]  }
0x26d: {  	v1 =	vld.idx.msk [tilespmem:v1+s4+$0x0], $0xffff  }
0x26e: {  	v2 =	vld.idx.msk [tilespmem:v2+s4+$0x0], $0xffff  }
0x26f: {  	v3 =	vld.idx.msk [tilespmem:v3+s4+$0x0], $0xffff  }
0x270: {  	v4 =	vld.idx.msk [tilespmem:v4+s4+$0x0], $0xffff  }
0x271: {  	v5 =	vld.idx.msk [tilespmem:v5+s4+$0x0], $0xffff  }
0x272: {  	s10 =	sadd.s32 $0x80, s10;
	v6 =	vld.idx.msk [tilespmem:v6+s4+$0x0], $0xffff  }
0x273: {  	[tilespmem:s10+$0x0] =	vst.add.f32.msk $0xffff, v1  }
0x274: {  	v1 =	vld.idx.msk [tilespmem:v8+s4+$0x0], $0xffff  }
0x275: {  	v7 =	vld.idx.msk [tilespmem:v7+s4+$0x0], $0xffff  }
0x276: {  	[tilespmem:s10+$0xFFFFFFA0] =	vst.add.f32.msk $0xffff, v2  }
0x277: {  	[tilespmem:s10+$0xFFFFFFB0] =	vst.add.f32.msk $0xffff, v3  }
.Ltmp7:
0x278: {  	[tilespmem:s10+$0xFFFFFFC0] =	vst.add.f32.msk $0xffff, v4;
	(pc) =	sbr.rel @p2 .LBB2_13-.Ltmp7, $4  }
0x279: {  	[tilespmem:s10+$0xFFFFFFD0] =	vst.add.f32.msk $0xffff, v5  }
0x27a: {  	[tilespmem:s10+$0xFFFFFF90] =	vst.add.f32.msk $0xffff, v1  }
0x27b: {  	[tilespmem:s10+$0xFFFFFFE0] =	vst.add.f32.msk $0xffff, v6  }
0x27c: {  	s12 =	sadd.s32 $0x100, s12;
	[tilespmem:s10+$0xFFFFFFF0] =	vst.add.f32.msk $0xffff, v7  }
.Ltmp8:
0x27d: {  	(pc) =	sbr.rel @p1 .LBB2_18-.Ltmp8, $1  }
0x27e: {  	_ =	sdelay $0x3  }
0x27f: {  	s9 =	sadd.s32 $0x80, s9  }
0x280: {  	s9 =	sand.u32 $0x180, s9  }
0x281: {  	s9 =	sadd.s32 s9, s3  }
0x282: {  	s11 =	simm.s32 $0x18780;
	s10 =	sadd.s32 $0x4000, s9  }
0x283: {  	[tilespmem:s11], [sflag:$0x3] =	stream.linear.gather [spmem:s10], $0x80, $0x38;
	[tilespmem:$0x1F700] =	vst v63  }
0x284: {  	s12 =	simm.s32 $0x18880;
	s11 =	sadd.s32 $0x4200, s9  }
0x285: {  	[tilespmem:s12], [sflag:$0x3] =	stream.linear.gather [spmem:s11], $0x80, $0x38;
	[tilespmem:$0x1F700] =	vst v63  }
0x286: {  	s14 =	simm.s32 $0x18980;
	s13 =	sadd.s32 $0x4400, s9  }
0x287: {  	[tilespmem:s14], [sflag:$0x3] =	stream.linear.gather [spmem:s13], $0x80, $0x38;
	[tilespmem:$0x1F700] =	vst v63  }
0x288: {  	s11 =	sadd.s32 $0x4600, s9;
	s12 =	simm.s32 $0x18A80  }
0x289: {  	[tilespmem:s12], [sflag:$0x3] =	stream.linear.gather [spmem:s11], $0x80, $0x38;
	[tilespmem:$0x1F700] =	vst v63  }
0x28a: {  	s13 =	sadd.s32 $0x4800, s9;
	s14 =	simm.s32 $0x18B80  }
0x28b: {  	[tilespmem:s14], [sflag:$0x3] =	stream.linear.gather [spmem:s13], $0x80, $0x38;
	[tilespmem:$0x1F700] =	vst v63  }
0x28c: {  	s11 =	sadd.s32 $0x4A00, s9;
	s12 =	simm.s32 $0x18C80  }
0x28d: {  	[tilespmem:s12], [sflag:$0x3] =	stream.linear.gather [spmem:s11], $0x80, $0x38;
	[tilespmem:$0x1F700] =	vst v63  }
0x28e: {  	s13 =	sadd.s32 $0x4C00, s9;
	s14 =	simm.s32 $0x18D80  }
0x28f: {  	[tilespmem:s14], [sflag:$0x3] =	stream.linear.gather [spmem:s13], $0x80, $0x38;
	[tilespmem:$0x1F700] =	vst v63  }
0x290: {  	s11 =	sadd.s32 $0x4E00, s9;
	s12 =	simm.s32 $0x18E80  }
0x291: {  	[tilespmem:s12], [sflag:$0x3] =	stream.linear.gather [spmem:s11], $0x80, $0x38;
	[tilespmem:$0x1F700] =	vst v63  }
0x292: {  	s13 =	sadd.s32 $0x5000, s9;
	s14 =	simm.s32 $0x18F80  }
0x293: {  	[tilespmem:s14], [sflag:$0x3] =	stream.linear.gather [spmem:s13], $0x80, $0x38;
	[tilespmem:$0x1F700] =	vst v63  }
0x294: {  	s11 =	sadd.s32 $0x5200, s9;
	s12 =	simm.s32 $0x19080  }
0x295: {  	[tilespmem:s12], [sflag:$0x3] =	stream.linear.gather [spmem:s11], $0x80, $0x38;
	[tilespmem:$0x1F700] =	vst v63  }
0x296: {  	s13 =	sadd.s32 $0x5400, s9;
	s14 =	simm.s32 $0x19180  }
0x297: {  	[tilespmem:s14], [sflag:$0x3] =	stream.linear.gather [spmem:s13], $0x80, $0x38;
	[tilespmem:$0x1F700] =	vst v63  }
0x298: {  	s11 =	sadd.s32 $0x5600, s9;
	s12 =	simm.s32 $0x19280  }
0x299: {  	[tilespmem:s12], [sflag:$0x3] =	stream.linear.gather [spmem:s11], $0x80, $0x38;
	[tilespmem:$0x1F700] =	vst v63  }
0x29a: {  	s13 =	sadd.s32 $0x5800, s9;
	s14 =	simm.s32 $0x19380  }
0x29b: {  	[tilespmem:s14], [sflag:$0x3] =	stream.linear.gather [spmem:s13], $0x80, $0x38;
	[tilespmem:$0x1F700] =	vst v63  }
0x29c: {  	s11 =	sadd.s32 $0x5A00, s9;
	s12 =	simm.s32 $0x19480  }
0x29d: {  	[tilespmem:s12], [sflag:$0x3] =	stream.linear.gather [spmem:s11], $0x80, $0x38;
	[tilespmem:$0x1F700] =	vst v63  }
0x29e: {  	s13 =	sadd.s32 $0x5C00, s9  }
0x29f: {  	[tilespmem:s15], [sflag:$0x3] =	stream.linear.gather [spmem:s13], $0x80, $0x38;
	[tilespmem:$0x1F700] =	vst v63  }
0x2a0: {  	s14 =	sadd.s32 $0x5E00, s9  }
0x2a1: {  	[tilespmem:s16], [sflag:$0x3] =	stream.linear.gather [spmem:s14], $0x80, $0x38;
	[tilespmem:$0x1F700] =	vst v63  }
0x2a2: {  	s11 =	sadd.s32 $0x6000, s9  }
0x2a3: {  	[tilespmem:s17], [sflag:$0x3] =	stream.linear.gather [spmem:s11], $0x80, $0x38;
	[tilespmem:$0x1F700] =	vst v63  }
0x2a4: {  	s12 =	sadd.s32 $0x6200, s9  }
0x2a5: {  	[tilespmem:s18], [sflag:$0x3] =	stream.linear.gather [spmem:s12], $0x80, $0x38;
	[tilespmem:$0x1F700] =	vst v63  }
0x2a6: {  	s13 =	sadd.s32 $0x6400, s9  }
0x2a7: {  	[tilespmem:s19], [sflag:$0x3] =	stream.linear.gather [spmem:s13], $0x80, $0x38;
	[tilespmem:$0x1F700] =	vst v63  }
0x2a8: {  	s14 =	sadd.s32 $0x6600, s9  }
0x2a9: {  	[tilespmem:s20], [sflag:$0x3] =	stream.linear.gather [spmem:s14], $0x80, $0x38;
	[tilespmem:$0x1F700] =	vst v63  }
0x2aa: {  	s11 =	sadd.s32 $0x6800, s9  }
0x2ab: {  	[tilespmem:s21], [sflag:$0x3] =	stream.linear.gather [spmem:s11], $0x80, $0x38;
	[tilespmem:$0x1F700] =	vst v63  }
0x2ac: {  	s12 =	sadd.s32 $0x6A00, s9  }
0x2ad: {  	[tilespmem:s6], [sflag:$0x3] =	stream.linear.gather [spmem:s12], $0x80, $0x38;
	[tilespmem:$0x1F700] =	vst v63  }
0x2ae: {  	s13 =	sadd.s32 $0x6C00, s9  }
0x2af: {  	[tilespmem:s2], [sflag:$0x3] =	stream.linear.gather [spmem:s13], $0x80, $0x38;
	[tilespmem:$0x1F700] =	vst v63  }
0x2b0: {  	s14 =	sadd.s32 $0x6E00, s9  }
0x2b1: {  	[tilespmem:s1], [sflag:$0x3] =	stream.linear.gather [spmem:s14], $0x80, $0x38;
	[tilespmem:$0x1F700] =	vst v63  }
0x2b2: {  	s11 =	sadd.s32 $0x7000, s9  }
0x2b3: {  	[tilespmem:s22], [sflag:$0x3] =	stream.linear.gather [spmem:s11], $0x80, $0x38;
	[tilespmem:$0x1F700] =	vst v63  }
0x2b4: {  	s12 =	sadd.s32 $0x7200, s9  }
0x2b5: {  	[tilespmem:s23], [sflag:$0x3] =	stream.linear.gather [spmem:s12], $0x80, $0x38;
	[tilespmem:$0x1F700] =	vst v63  }
0x2b6: {  	s13 =	sadd.s32 $0x7400, s9  }
0x2b7: {  	[tilespmem:s24], [sflag:$0x3] =	stream.linear.gather [spmem:s13], $0x80, $0x38;
	[tilespmem:$0x1F700] =	vst v63  }
0x2b8: {  	s14 =	sadd.s32 $0x7600, s9  }
0x2b9: {  	[tilespmem:s25], [sflag:$0x3] =	stream.linear.gather [spmem:s14], $0x80, $0x38;
	[tilespmem:$0x1F700] =	vst v63  }
0x2ba: {  	s11 =	sadd.s32 $0x7800, s9  }
0x2bb: {  	[tilespmem:s5], [sflag:$0x3] =	stream.linear.gather [spmem:s11], $0x80, $0x38;
	[tilespmem:$0x1F700] =	vst v63  }
0x2bc: {  	s12 =	sadd.s32 $0x7A00, s9  }
0x2bd: {  	[tilespmem:s26], [sflag:$0x3] =	stream.linear.gather [spmem:s12], $0x80, $0x38;
	[tilespmem:$0x1F700] =	vst v63  }
0x2be: {  	s10 =	sadd.s32 $0x1, s7;
	s13 =	sadd.s32 $0x7C00, s9  }
0x2bf: {  	[tilespmem:s28], [sflag:$0x3] =	stream.linear.gather [spmem:s13], $0x80, $0x38;
	[tilespmem:$0x1F700] =	vst v63  }
0x2c0: {  	s9 =	sadd.s32 $0x7E00, s9;
	s14 =	smul.u32 $0x30E000, s10;
	s12 =	rddreg [dreg:$0x5]  }
0x2c1: {  	[tilespmem:s29], [sflag:$0x3] =	stream.linear.gather [spmem:s9], $0x80, $0x38;
	[tilespmem:$0x1F700] =	vst v63  }
0x2c2: {  	s9 =	sadd.s32 s12, s14  }
0x2c3: {  	s13 =	rddreg [dreg:$0x1];
	s9 =	sshrl.u32 s9, $0x3  }
0x2c4: {  	s14 =	simm.s32 $0x80;
	s12 =	simm.s32 $0x400;
	s9 =	sadd.s32 s13, s9  }
0x2c5: {  	[tilespmem:s4], [sflag:$0x1] =	stream.strided.gather [hbm4b:s9+s14], $0x18700, s12, s14, $0x38;
	[tilespmem:$0x1F700] =	vst v63  }
0x2c6: {  	s9 =	sadd.s32 $0xFFFFFFFF, s7  }
0x2c7: {  	p1 =	slt.u32 @!p0 s9, $0x16  }
0x2c8: {  	p1 =	por !p1, p0  }
0x2c9: {  	s9 =	simm.s32 @!p1 $0x4  }
0x2ca: {  	_ =	swait.ge @!p1 [sflag:s9], $0x800  }
0x2cb: {  	[sflag:s9] =	ssyncset.done @!p1 $0x0  }
0x2cc: {  	[sflag:s9] =	ssyncadd.s32 @!p1 $0xFFFFF800;
	p1 =	sgt.u32 @!p0 s7, $0x15  }
0x2cd: {  	p1 =	por p1, p0  }
0x2ce: {  	[bflag:$0x0] =	sbarrier.arrive $0xFFFF;
	s9 =	sadd.s32 @!p1 $0x4, s7  }
0x2cf: {  	s12 =	rddreg [dreg:$0x0];
	s8 =	sshrl.u32 @!p1 s8, $0x3;
	s11 =	sshll.u32 @!p1 s9, $0x4  }
0x2d0: {  	s13 =	simm.s32 @!p1 $0x80;
	s9 =	sshll.u32 @!p1 s9, $0xB;
	s11 =	sand.u32 @!p1 $0x70, s11  }
0x2d1: {  	s14 =	simm.s32 @!p1 $0x1C04;
	s9 =	sand.u32 @!p1 $0x1C000, s9;
	s11 =	sadd.s32 @!p1 s12, s11  }
0x2d2: {  	s12 =	simm.s32 @!p1 $0x40;
	s9 =	sadd.s32 @!p1 s9, s11;
	s11 =	simm.s32 @!p1 $0x1  }
0x2d3: {  	[spmem:s8@s12], [sflag:s14] =	dma.strided @!p1 [hbm:s9@s13], $0x800, s11, $0x10   }
0x2d4: {  	p1 =	slt.u32 s7, $0x19  }
.Ltmp9:
0x2d5: {  	_ = 	snop;
	(pc) =	sbr.rel @p1 .LBB2_4-.Ltmp9, $4  }
.Ltmp10:
0x2d6: {  	_ = 	snop;
	(pc) =	sbr.rel @!p1 .LBB2_16-.Ltmp10, $4  }
0x2d7: {  	_ = 	snop  }
0x2d8: {  	_ = 	snop  }
0x2d9: {  	s7 =	smov.u32 s10  }
0x2da: {  	_ = 	snop  }
.LBB2_17:
0x2db: {  	_ =	sfence.sel $0x180000  }
0x2dc: {  	[bflag:$0x0] =	sbarrier.arrive $0xFFFF  }
0x2dd: {  	_ =	strace $0x90000047  }
0x2de: {  	[bflag:$0x2] =	sbarrier.arrive $0xFFFF  }
0x2df: {  	s0 =	rddreg [dreg:$0x4]  }
0x2e0: {  	s0 =	sadd.s32 @!p0 $0x100000, s0  }
0x2e1: {  	[sflag:s0] =	ssyncadd.tile.s32 @!p0 $0x1;
	_ =	shalt  }
.Lfunc_end2:
_tile_overlayer_lowered:
.L_overlay_start_2:
0x2e2: {  	(tag) =	ssettag $0x2  }
0x2e3: {  	s0 =	rddreg [dreg:$0x0];
	s2 =	stileid.u32  }
0x2e4: {  	s1 =	rddreg [dreg:$0x1];
	p0 =	sne.s32 s2, $0x0  }
0x2e5: {  	s3 =	rddreg [dreg:$0x2];
	[bflag:$0x3] =	sbarrier.arrive $0xFFFF;
	s2 =	simm.s32 @!p0 $0x1C05  }
0x2e6: {  	[timem:s3], [sflag:s2] =	dma.local @!p0 [hbm:s0], s1  }
0x2e7: {  	s0 =	simm.s32 @!p0 $0x5  }
0x2e8: {  	_ =	swait.ge @!p0 [sflag:s0], s1  }
0x2e9: {  	s1 =	ssub.s32 @!p0 $0x0, s1;
	[sflag:s0] =	ssyncset.done @!p0 $0x0  }
0x2ea: {  	[sflag:s0] =	ssyncadd.s32 @!p0 s1  }
0x2eb: {  	[bflag:$0x3] =	sbarrier.arrive $0xFFFF  }
0x2ec: {  	_ =	shalt  }

</sc_bundles>
